<compile_context>
chip_gen: v7x
topology: tpu7x:2x2x1
jax: 0.10.2.dev20260603
libtpu: 0.0.44.dev20260713+nightly
codegen_flags: <defaults>
</compile_context>

<pallas_src>
import jax
import jax.numpy as jnp
from jax.experimental import pallas as pl
from jax.experimental.pallas import tpu as pltpu
from jax.experimental.pallas import tpu_sc as plsc

E = 800000
K = 64
BW = 8192
CH = 1024
KR = 8
L = 16
E_SC = 131072
E_TC = E - E_SC

_mesh = plsc.VectorSubcoreMesh(core_axis_name="core", subcore_axis_name="subcore")


def _tc_body(gu_ref, gi_ref, gut_ref, git_ref, out_ref):
    p = gu_ref[...] * gi_ref[...] + gut_ref[...] * git_ref[...]
    out_ref[...] = jnp.sum(p, axis=0)


def _sc_body(idx, a_v, b_v, c_v, d_v, o_v):
    j = idx[1]

    @pl.loop(0, CH, step=L)
    def _(c1):
        def kstep(k, acc):
            sl = (k, pl.ds(c1, L))
            return acc + a_v[sl] * b_v[sl] + c_v[sl] * d_v[sl]
        acc = jax.lax.fori_loop(0, KR, kstep, jnp.zeros((L,), jnp.float32))

        @pl.when(j == 0)
        def _():
            o_v[pl.ds(c1, L)] = acc

        @pl.when(j != 0)
        def _():
            o_v[pl.ds(c1, L)] = o_v[pl.ds(c1, L)] + acc


def kernel(gu, gi, gut, git):
    a_t = gu.T
    b_t = gi.T
    c_t = gut.T
    d_t = git.T

    @pl.kernel(
        out_type=jax.ShapeDtypeStruct((E_SC,), jnp.float32),
        mesh=_mesh,
    )
    def sc_kernel(a_hbm, b_hbm, c_hbm, d_hbm, o_hbm):
        in_spec = pl.BlockSpec((KR, CH), lambda i, j: (j, i))
        pltpu.emit_pipeline(
            _sc_body,
            grid=(E_SC // CH, K // KR),
            in_specs=[in_spec, in_spec, in_spec, in_spec],
            out_specs=[pl.BlockSpec((CH,), lambda i, j: (i,))],
            core_axis_name=("core", "subcore"),
            dimension_semantics=(pltpu.PARALLEL, pltpu.ARBITRARY),
            _explicit_indices=True,
        )(a_hbm, b_hbm, c_hbm, d_hbm, o_hbm)

    sc_out = sc_kernel(a_t, b_t, c_t, d_t)

    tc_off = E_SC // BW
    in_spec = pl.BlockSpec((K, BW), lambda i: (0, i + tc_off))
    tc_out = pl.pallas_call(
        _tc_body,
        grid=((E_TC + BW - 1) // BW,),
        in_specs=[in_spec, in_spec, in_spec, in_spec],
        out_specs=pl.BlockSpec((BW,), lambda i: (i,)),
        out_shape=jax.ShapeDtypeStruct((E_TC,), jnp.float32),
    )(a_t, b_t, c_t, d_t)

    return jnp.concatenate([sc_out, tc_out])

# --- scband reference (transcript-rebuilt; emitter-appended) ---
"""Pipeline reference for scband-egcfv2-model-57526791962953 (READ-ONLY COPY).

The authoritative reference and input builder live on the scoring server;
editing this copy changes nothing except your own understanding.
"""

import jax, jax.numpy as jnp
import numpy as np

E = 800000
EMBED_K = 64

def setup_inputs(seed: int = 0) -> dict:
    key = jax.random.key(seed)
    k1, k2, k3, k4 = jax.random.split(key, 4)
    gu = jax.random.normal(k1, (E, EMBED_K), dtype=jnp.float32)
    gi = jax.random.normal(k2, (E, EMBED_K), dtype=jnp.float32)
    gut = jax.random.normal(k3, (E, EMBED_K), dtype=jnp.float32)
    git = jax.random.normal(k4, (E, EMBED_K), dtype=jnp.float32)
    return {"gu": gu, "gi": gi, "gut": gut, "git": git}

def reference(gu, gi, gut, git):
    # EGCFv2Model.forward: inputs = (gu, gi, gut, git)
    # gamma_* = torch.squeeze(g*)  -- no-op for 2D tensors with no singleton dims
    gamma_u = jnp.squeeze(gu)
    gamma_i = jnp.squeeze(gi)
    gamma_u_t = jnp.squeeze(gut)
    gamma_i_t = jnp.squeeze(git)
    xui = jnp.sum(gamma_u * gamma_i, axis=1) + jnp.sum(gamma_u_t * gamma_i_t, axis=1)
    return xui

if __name__ == "__main__":
    import jax
    _d = setup_inputs()
    print(jax.jit(kernel)(*tuple(_d.values())))

</pallas_src>

<mosaic_0001>
#map = affine_map<(d0, d1) -> (0, 0)>
#map1 = affine_map<(d0, d1) -> (0)>
module attributes {stable_mosaic.version = 14 : i64} {
  func.func @sc_kernel(%arg0: i32, %arg1: i32, %arg2: memref<64x800000xf32, #tpu.memory_space<hbm>>, %arg3: memref<64x800000xf32, #tpu.memory_space<hbm>>, %arg4: memref<64x800000xf32, #tpu.memory_space<hbm>>, %arg5: memref<64x800000xf32, #tpu.memory_space<hbm>>, %arg6: memref<131072xf32, #tpu.memory_space<hbm>>) attributes {dimension_semantics = [#tpu.dimension_semantics<core_parallel>, #tpu.dimension_semantics<subcore_parallel>], iteration_bounds = array<i64: 2, 16>, scalar_prefetch = 0 : i64, scratch_operands = 0 : i64, tpu.core_type = #tpu.core_type<sc_vector_subcore>, window_params = [{transform_indices = #map}, {transform_indices = #map}, {transform_indices = #map}, {transform_indices = #map}, {transform_indices = #map1}]} {
    %mul3A = arith.constant 1 : i32
    %mul3A_0 = arith.muli %arg1, %mul3A : i32
    %add3A = arith.constant 0 : i32
    %add3A_1 = arith.addi %add3A, %mul3A_0 : i32
    %mul3A_2 = arith.constant 16 : i32
    %mul3A_3 = arith.muli %arg0, %mul3A_2 : i32
    %add3A_4 = arith.addi %add3A_1, %mul3A_3 : i32
    %mul3A_5 = arith.constant 4 : i32
    %mul3A_6 = arith.muli %add3A_4, %mul3A_5 : i32
    "tpu.region"() ({
      %run_scoped3A = memref.alloca() : memref<2x8x1024xf32, #tpu.memory_space<vmem>>
      %run_scoped3A_7 = tpu.sem_alloc : memref<2x!tpu.dma_semaphore, #tpu.memory_space<semaphore_mem>>
      %run_scoped3A_8 = memref.alloca() : memref<2x8x1024xf32, #tpu.memory_space<vmem>>
      %run_scoped3A_9 = tpu.sem_alloc : memref<2x!tpu.dma_semaphore, #tpu.memory_space<semaphore_mem>>
      %run_scoped3A_10 = memref.alloca() : memref<2x8x1024xf32, #tpu.memory_space<vmem>>
      %run_scoped3A_11 = tpu.sem_alloc : memref<2x!tpu.dma_semaphore, #tpu.memory_space<semaphore_mem>>
      %run_scoped3A_12 = memref.alloca() : memref<2x8x1024xf32, #tpu.memory_space<vmem>>
      %run_scoped3A_13 = tpu.sem_alloc : memref<2x!tpu.dma_semaphore, #tpu.memory_space<semaphore_mem>>
      %run_scoped3A_14 = memref.alloca() : memref<2048xf32, #tpu.memory_space<vmem>>
      %run_scoped3A_15 = tpu.sem_alloc : memref<2x!tpu.dma_semaphore, #tpu.memory_space<semaphore_mem>>
      %add3A_16 = arith.constant 0 : i32
      %add3A_17 = arith.addi %add3A_16, %mul3A_6 : i32
      %select_n3A = arith.constant true
      %select_n3A_18 = arith.constant 0 : i32
      %select_n3A_19 = arith.constant -1 : i32
      %select_n3A_20 = arith.select %select_n3A, %select_n3A_19, %select_n3A_18 : i32
      %eq3A = arith.constant -1 : i32
      %eq3A_21 = arith.cmpi eq, %select_n3A_20, %eq3A : i32
      %select_n3A_22 = arith.constant 7 : i32
      %select_n3A_23 = arith.select %eq3A_21, %select_n3A_22, %select_n3A_20 : i32
      %select_n3A_24 = arith.constant 0 : i32
      %select_n3A_25 = arith.constant -1 : i32
      %select_n3A_26 = arith.select %eq3A_21, %select_n3A_25, %select_n3A_24 : i32
      %eq3A_27 = arith.constant -1 : i32
      %eq3A_28 = arith.cmpi eq, %select_n3A_26, %eq3A_27 : i32
      %select_n3A_29 = arith.constant 3 : i32
      %select_n3A_30 = arith.select %eq3A_28, %select_n3A_29, %select_n3A_26 : i32
      %add3A_31 = arith.addi %select_n3A_30, %mul3A_6 : i32
      %add3A_32 = arith.constant 0 : i32
      %add3A_33 = arith.addi %select_n3A_23, %add3A_32 : i32
      %select_n3A_34 = arith.constant true
      %select_n3A_35 = arith.constant 0 : i32
      %select_n3A_36 = arith.constant 1 : i32
      %select_n3A_37 = arith.select %select_n3A_34, %select_n3A_36, %select_n3A_35 : i32
      %eq3A_38 = arith.constant 8 : i32
      %eq3A_39 = arith.cmpi eq, %select_n3A_37, %eq3A_38 : i32
      %select_n3A_40 = arith.constant 0 : i32
      %select_n3A_41 = arith.select %eq3A_39, %select_n3A_40, %select_n3A_37 : i32
      %select_n3A_42 = arith.constant 0 : i32
      %select_n3A_43 = arith.constant 1 : i32
      %select_n3A_44 = arith.select %eq3A_39, %select_n3A_43, %select_n3A_42 : i32
      %eq3A_45 = arith.constant 4 : i32
      %eq3A_46 = arith.cmpi eq, %select_n3A_44, %eq3A_45 : i32
      %select_n3A_47 = arith.constant 0 : i32
      %select_n3A_48 = arith.select %eq3A_46, %select_n3A_47, %select_n3A_44 : i32
      %add3A_49 = arith.addi %select_n3A_48, %mul3A_6 : i32
      %add3A_50 = arith.constant 0 : i32
      %add3A_51 = arith.addi %select_n3A_41, %add3A_50 : i32
      %add3A_52 = arith.constant 1 : i32
      %add3A_53 = arith.addi %select_n3A_41, %add3A_52 : i32
      %select_n3A_54 = arith.constant true
      %select_n3A_55 = arith.select %select_n3A_54, %add3A_53, %select_n3A_41 : i32
      %eq3A_56 = arith.constant 8 : i32
      %eq3A_57 = arith.cmpi eq, %select_n3A_55, %eq3A_56 : i32
      %select_n3A_58 = arith.constant 0 : i32
      %select_n3A_59 = arith.select %eq3A_57, %select_n3A_58, %select_n3A_55 : i32
      %add3A_60 = arith.constant 1 : i32
      %add3A_61 = arith.addi %select_n3A_48, %add3A_60 : i32
      %select_n3A_62 = arith.select %eq3A_57, %add3A_61, %select_n3A_48 : i32
      %eq3A_63 = arith.constant 4 : i32
      %eq3A_64 = arith.cmpi eq, %select_n3A_62, %eq3A_63 : i32
      %select_n3A_65 = arith.constant 0 : i32
      %select_n3A_66 = arith.select %eq3A_64, %select_n3A_65, %select_n3A_62 : i32
      %add3A_67 = arith.addi %select_n3A_66, %mul3A_6 : i32
      %add3A_68 = arith.constant 0 : i32
      %add3A_69 = arith.addi %select_n3A_59, %add3A_68 : i32
      "tpu.trace_start"() <{level = 10 : i32, message = "ep_initialize_0"}> : () -> ()
      %rem3A = arith.constant 0 : i32
      %rem3A_70 = arith.constant 2 : i32
      %rem3A_71 = arith.remui %rem3A, %rem3A_70 : i32
      %mul3A_72 = arith.constant 1024 : i32
      %mul3A_73 = arith.muli %mul3A_72, %add3A_17 : i32
      %eq3A_74 = arith.constant 781 : i32
      %eq3A_75 = arith.cmpi eq, %add3A_17, %eq3A_74 : i32
      %jit3A = arith.constant 256 : i32
      %jit3A_76 = arith.constant 1024 : i32
      %select_n3A_77 = arith.select %eq3A_75, %jit3A, %jit3A_76 : i32
      %multiple_of3A = tpu.assume_multiple %select_n3A_77, 128 : i32
      %mul3A_78 = arith.constant 1024 : i32
      %mul3A_79 = arith.muli %add3A_17, %mul3A_78 : i32
      %dma_start3A = arith.constant 0 : i32
      %dma_start3A_80 = arith.constant 0 : i32
      %dma_start3A_81 = tpu.memref_slice %run_scoped3A[%rem3A_71, %dma_start3A, %dma_start3A_80] <%multiple_of3A> : memref<2x8x1024xf32, #tpu.memory_space<vmem>> -> memref<1x8x?xf32, #tpu.memory_space<vmem>>
      %dma_start3A_82 = tpu.memref_squeeze %dma_start3A_81 : memref<1x8x?xf32, #tpu.memory_space<vmem>> -> memref<8x?xf32, #tpu.memory_space<vmem>>
      %dma_start3A_83 = arith.constant 0 : i32
      %dma_start3A_84 = tpu.memref_slice %arg2[%dma_start3A_83, %mul3A_79] <%multiple_of3A> : memref<64x800000xf32, #tpu.memory_space<hbm>> -> memref<8x?xf32, #tpu.memory_space<hbm>>
      %dma_start3A_85 = tpu.memref_slice %run_scoped3A_7[%rem3A_71] : memref<2x!tpu.dma_semaphore, #tpu.memory_space<semaphore_mem>> -> memref<1x!tpu.dma_semaphore, #tpu.memory_space<semaphore_mem>>
      %dma_start3A_86 = tpu.memref_squeeze %dma_start3A_85 : memref<1x!tpu.dma_semaphore, #tpu.memory_space<semaphore_mem>> -> memref<!tpu.dma_semaphore, #tpu.memory_space<semaphore_mem>>
      %dma_start3A_87 = arith.constant 0 : i32
      %dma_start3A_88 = arith.constant 0 : i32
      %dma_start3A_89 = tpu.memref_slice %run_scoped3A[%rem3A_71, %dma_start3A_87, %dma_start3A_88] <%multiple_of3A> : memref<2x8x1024xf32, #tpu.memory_space<vmem>> -> memref<1x8x?xf32, #tpu.memory_space<vmem>>
      %dma_start3A_90 = tpu.memref_squeeze %dma_start3A_89 : memref<1x8x?xf32, #tpu.memory_space<vmem>> -> memref<8x?xf32, #tpu.memory_space<vmem>>
      %dma_start3A_91 = arith.constant 0 : i32
      %dma_start3A_92 = tpu.memref_slice %arg2[%dma_start3A_91, %mul3A_79] <%multiple_of3A> : memref<64x800000xf32, #tpu.memory_space<hbm>> -> memref<8x?xf32, #tpu.memory_space<hbm>>
      tpu.enqueue_dma source(%dma_start3A_92 : memref<8x?xf32, #tpu.memory_space<hbm>>) target(%dma_start3A_90 : memref<8x?xf32, #tpu.memory_space<vmem>>) target_semaphore(%dma_start3A_86 : memref<!tpu.dma_semaphore, #tpu.memory_space<semaphore_mem>>)
      %add3A_93 = arith.constant 0 : i32
      %add3A_94 = arith.constant 1 : i32
      %add3A_95 = arith.addi %add3A_93, %add3A_94 : i32
      %select_n3A_96 = arith.constant true
      %select_n3A_97 = arith.constant 0 : i32
      %select_n3A_98 = arith.select %select_n3A_96, %add3A_95, %select_n3A_97 : i32
      %rem3A_99 = arith.constant 0 : i32
      %rem3A_100 = arith.constant 2 : i32
      %rem3A_101 = arith.remui %rem3A_99, %rem3A_100 : i32
      %mul3A_102 = arith.constant 1024 : i32
      %mul3A_103 = arith.muli %mul3A_102, %add3A_17 : i32
      %eq3A_104 = arith.constant 781 : i32
      %eq3A_105 = arith.cmpi eq, %add3A_17, %eq3A_104 : i32
      %jit3A_106 = arith.constant 256 : i32
      %jit3A_107 = arith.constant 1024 : i32
      %select_n3A_108 = arith.select %eq3A_105, %jit3A_106, %jit3A_107 : i32
      %multiple_of3A_109 = tpu.assume_multiple %select_n3A_108, 128 : i32
      %mul3A_110 = arith.constant 1024 : i32
      %mul3A_111 = arith.muli %add3A_17, %mul3A_110 : i32
      %dma_start3A_112 = arith.constant 0 : i32
      %dma_start3A_113 = arith.constant 0 : i32
      %dma_start3A_114 = tpu.memref_slice %run_scoped3A_8[%rem3A_101, %dma_start3A_112, %dma_start3A_113] <%multiple_of3A_109> : memref<2x8x1024xf32, #tpu.memory_space<vmem>> -> memref<1x8x?xf32, #tpu.memory_space<vmem>>
      %dma_start3A_115 = tpu.memref_squeeze %dma_start3A_114 : memref<1x8x?xf32, #tpu.memory_space<vmem>> -> memref<8x?xf32, #tpu.memory_space<vmem>>
      %dma_start3A_116 = arith.constant 0 : i32
      %dma_start3A_117 = tpu.memref_slice %arg3[%dma_start3A_116, %mul3A_111] <%multiple_of3A_109> : memref<64x800000xf32, #tpu.memory_space<hbm>> -> memref<8x?xf32, #tpu.memory_space<hbm>>
      %dma_start3A_118 = tpu.memref_slice %run_scoped3A_9[%rem3A_101] : memref<2x!tpu.dma_semaphore, #tpu.memory_space<semaphore_mem>> -> memref<1x!tpu.dma_semaphore, #tpu.memory_space<semaphore_mem>>
      %dma_start3A_119 = tpu.memref_squeeze %dma_start3A_118 : memref<1x!tpu.dma_semaphore, #tpu.memory_space<semaphore_mem>> -> memref<!tpu.dma_semaphore, #tpu.memory_space<semaphore_mem>>
      %dma_start3A_120 = arith.constant 0 : i32
      %dma_start3A_121 = arith.constant 0 : i32
      %dma_start3A_122 = tpu.memref_slice %run_scoped3A_8[%rem3A_101, %dma_start3A_120, %dma_start3A_121] <%multiple_of3A_109> : memref<2x8x1024xf32, #tpu.memory_space<vmem>> -> memref<1x8x?xf32, #tpu.memory_space<vmem>>
      %dma_start3A_123 = tpu.memref_squeeze %dma_start3A_122 : memref<1x8x?xf32, #tpu.memory_space<vmem>> -> memref<8x?xf32, #tpu.memory_space<vmem>>
      %dma_start3A_124 = arith.constant 0 : i32
      %dma_start3A_125 = tpu.memref_slice %arg3[%dma_start3A_124, %mul3A_111] <%multiple_of3A_109> : memref<64x800000xf32, #tpu.memory_space<hbm>> -> memref<8x?xf32, #tpu.memory_space<hbm>>
      tpu.enqueue_dma source(%dma_start3A_125 : memref<8x?xf32, #tpu.memory_space<hbm>>) target(%dma_start3A_123 : memref<8x?xf32, #tpu.memory_space<vmem>>) target_semaphore(%dma_start3A_119 : memref<!tpu.dma_semaphore, #tpu.memory_space<semaphore_mem>>)
      %add3A_126 = arith.constant 0 : i32
      %add3A_127 = arith.constant 1 : i32
      %add3A_128 = arith.addi %add3A_126, %add3A_127 : i32
      %select_n3A_129 = arith.constant true
      %select_n3A_130 = arith.constant 0 : i32
      %select_n3A_131 = arith.select %select_n3A_129, %add3A_128, %select_n3A_130 : i32
      %rem3A_132 = arith.constant 0 : i32
      %rem3A_133 = arith.constant 2 : i32
      %rem3A_134 = arith.remui %rem3A_132, %rem3A_133 : i32
      %mul3A_135 = arith.constant 1024 : i32
      %mul3A_136 = arith.muli %mul3A_135, %add3A_17 : i32
      %eq3A_137 = arith.constant 781 : i32
      %eq3A_138 = arith.cmpi eq, %add3A_17, %eq3A_137 : i32
      %jit3A_139 = arith.constant 256 : i32
      %jit3A_140 = arith.constant 1024 : i32
      %select_n3A_141 = arith.select %eq3A_138, %jit3A_139, %jit3A_140 : i32
      %multiple_of3A_142 = tpu.assume_multiple %select_n3A_141, 128 : i32
      %mul3A_143 = arith.constant 1024 : i32
      %mul3A_144 = arith.muli %add3A_17, %mul3A_143 : i32
      %dma_start3A_145 = arith.constant 0 : i32
      %dma_start3A_146 = arith.constant 0 : i32
      %dma_start3A_147 = tpu.memref_slice %run_scoped3A_10[%rem3A_134, %dma_start3A_145, %dma_start3A_146] <%multiple_of3A_142> : memref<2x8x1024xf32, #tpu.memory_space<vmem>> -> memref<1x8x?xf32, #tpu.memory_space<vmem>>
      %dma_start3A_148 = tpu.memref_squeeze %dma_start3A_147 : memref<1x8x?xf32, #tpu.memory_space<vmem>> -> memref<8x?xf32, #tpu.memory_space<vmem>>
      %dma_start3A_149 = arith.constant 0 : i32
      %dma_start3A_150 = tpu.memref_slice %arg4[%dma_start3A_149, %mul3A_144] <%multiple_of3A_142> : memref<64x800000xf32, #tpu.memory_space<hbm>> -> memref<8x?xf32, #tpu.memory_space<hbm>>
      %dma_start3A_151 = tpu.memref_slice %run_scoped3A_11[%rem3A_134] : memref<2x!tpu.dma_semaphore, #tpu.memory_space<semaphore_mem>> -> memref<1x!tpu.dma_semaphore, #tpu.memory_space<semaphore_mem>>
      %dma_start3A_152 = tpu.memref_squeeze %dma_start3A_151 : memref<1x!tpu.dma_semaphore, #tpu.memory_space<semaphore_mem>> -> memref<!tpu.dma_semaphore, #tpu.memory_space<semaphore_mem>>
      %dma_start3A_153 = arith.constant 0 : i32
      %dma_start3A_154 = arith.constant 0 : i32
      %dma_start3A_155 = tpu.memref_slice %run_scoped3A_10[%rem3A_134, %dma_start3A_153, %dma_start3A_154] <%multiple_of3A_142> : memref<2x8x1024xf32, #tpu.memory_space<vmem>> -> memref<1x8x?xf32, #tpu.memory_space<vmem>>
      %dma_start3A_156 = tpu.memref_squeeze %dma_start3A_155 : memref<1x8x?xf32, #tpu.memory_space<vmem>> -> memref<8x?xf32, #tpu.memory_space<vmem>>
      %dma_start3A_157 = arith.constant 0 : i32
      %dma_start3A_158 = tpu.memref_slice %arg4[%dma_start3A_157, %mul3A_144] <%multiple_of3A_142> : memref<64x800000xf32, #tpu.memory_space<hbm>> -> memref<8x?xf32, #tpu.memory_space<hbm>>
      tpu.enqueue_dma source(%dma_start3A_158 : memref<8x?xf32, #tpu.memory_space<hbm>>) target(%dma_start3A_156 : memref<8x?xf32, #tpu.memory_space<vmem>>) target_semaphore(%dma_start3A_152 : memref<!tpu.dma_semaphore, #tpu.memory_space<semaphore_mem>>)
      %add3A_159 = arith.constant 0 : i32
      %add3A_160 = arith.constant 1 : i32
      %add3A_161 = arith.addi %add3A_159, %add3A_160 : i32
      %select_n3A_162 = arith.constant true
      %select_n3A_163 = arith.constant 0 : i32
      %select_n3A_164 = arith.select %select_n3A_162, %add3A_161, %select_n3A_163 : i32
      %rem3A_165 = arith.constant 0 : i32
      %rem3A_166 = arith.constant 2 : i32
      %rem3A_167 = arith.remui %rem3A_165, %rem3A_166 : i32
      %mul3A_168 = arith.constant 1024 : i32
      %mul3A_169 = arith.muli %mul3A_168, %add3A_17 : i32
      %eq3A_170 = arith.constant 781 : i32
      %eq3A_171 = arith.cmpi eq, %add3A_17, %eq3A_170 : i32
      %jit3A_172 = arith.constant 256 : i32
      %jit3A_173 = arith.constant 1024 : i32
      %select_n3A_174 = arith.select %eq3A_171, %jit3A_172, %jit3A_173 : i32
      %multiple_of3A_175 = tpu.assume_multiple %select_n3A_174, 128 : i32
      %mul3A_176 = arith.constant 1024 : i32
      %mul3A_177 = arith.muli %add3A_17, %mul3A_176 : i32
      %dma_start3A_178 = arith.constant 0 : i32
      %dma_start3A_179 = arith.constant 0 : i32
      %dma_start3A_180 = tpu.memref_slice %run_scoped3A_12[%rem3A_167, %dma_start3A_178, %dma_start3A_179] <%multiple_of3A_175> : memref<2x8x1024xf32, #tpu.memory_space<vmem>> -> memref<1x8x?xf32, #tpu.memory_space<vmem>>
      %dma_start3A_181 = tpu.memref_squeeze %dma_start3A_180 : memref<1x8x?xf32, #tpu.memory_space<vmem>> -> memref<8x?xf32, #tpu.memory_space<vmem>>
      %dma_start3A_182 = arith.constant 0 : i32
      %dma_start3A_183 = tpu.memref_slice %arg5[%dma_start3A_182, %mul3A_177] <%multiple_of3A_175> : memref<64x800000xf32, #tpu.memory_space<hbm>> -> memref<8x?xf32, #tpu.memory_space<hbm>>
      %dma_start3A_184 = tpu.memref_slice %run_scoped3A_13[%rem3A_167] : memref<2x!tpu.dma_semaphore, #tpu.memory_space<semaphore_mem>> -> memref<1x!tpu.dma_semaphore, #tpu.memory_space<semaphore_mem>>
      %dma_start3A_185 = tpu.memref_squeeze %dma_start3A_184 : memref<1x!tpu.dma_semaphore, #tpu.memory_space<semaphore_mem>> -> memref<!tpu.dma_semaphore, #tpu.memory_space<semaphore_mem>>
      %dma_start3A_186 = arith.constant 0 : i32
      %dma_start3A_187 = arith.constant 0 : i32
      %dma_start3A_188 = tpu.memref_slice %run_scoped3A_12[%rem3A_167, %dma_start3A_186, %dma_start3A_187] <%multiple_of3A_175> : memref<2x8x1024xf32, #tpu.memory_space<vmem>> -> memref<1x8x?xf32, #tpu.memory_space<vmem>>
      %dma_start3A_189 = tpu.memref_squeeze %dma_start3A_188 : memref<1x8x?xf32, #tpu.memory_space<vmem>> -> memref<8x?xf32, #tpu.memory_space<vmem>>
      %dma_start3A_190 = arith.constant 0 : i32
      %dma_start3A_191 = tpu.memref_slice %arg5[%dma_start3A_190, %mul3A_177] <%multiple_of3A_175> : memref<64x800000xf32, #tpu.memory_space<hbm>> -> memref<8x?xf32, #tpu.memory_space<hbm>>
      tpu.enqueue_dma source(%dma_start3A_191 : memref<8x?xf32, #tpu.memory_space<hbm>>) target(%dma_start3A_189 : memref<8x?xf32, #tpu.memory_space<vmem>>) target_semaphore(%dma_start3A_185 : memref<!tpu.dma_semaphore, #tpu.memory_space<semaphore_mem>>)
      %add3A_192 = arith.constant 0 : i32
      %add3A_193 = arith.constant 1 : i32
      %add3A_194 = arith.addi %add3A_192, %add3A_193 : i32
      %select_n3A_195 = arith.constant true
      %select_n3A_196 = arith.constant 0 : i32
      %select_n3A_197 = arith.select %select_n3A_195, %add3A_194, %select_n3A_196 : i32
      "tpu.trace_stop"() : () -> ()
      %scan3A = arith.constant 0 : i32
      %scan3A_198 = arith.constant 0 : i32
      %scan3A_199 = arith.constant 0 : i32
      %scan3A_200 = arith.constant 0 : i32
      %scan3A_201 = arith.constant 0 : i32
      %scan3A_202 = arith.constant 0 : i32
      %scan3A_203 = arith.constant 0 : i32
      %scan3A_204 = arith.constant 0 : i32
      %scan3A_205 = arith.constant 0 : i32
      %scan3A_206 = arith.constant 32 : i32
      %scan3A_207 = arith.addi %scan3A_205, %scan3A_206 : i32
      %scan3A_208 = arith.constant 1 : i32
      %scan3A_209:12 = scf.for %scan3A_295 = %scan3A_205 to %scan3A_207 step %scan3A_208 iter_args(%scan3A_296 = %select_n3A_98, %scan3A_297 = %scan3A, %scan3A_298 = %select_n3A_131, %scan3A_299 = %scan3A_198, %scan3A_300 = %select_n3A_164, %scan3A_301 = %scan3A_199, %scan3A_302 = %select_n3A_197, %scan3A_303 = %scan3A_200, %scan3A_304 = %scan3A_201, %scan3A_305 = %scan3A_202, %scan3A_306 = %scan3A_203, %scan3A_307 = %scan3A_204) -> (i32, i32, i32, i32, i32, i32, i32, i32, i32, i32, i32, i32)  : i32 {
        %eq3A_308 = arith.constant 0 : i32
        %eq3A_309 = arith.cmpi eq, %scan3A_295, %eq3A_308 : i32
        %eq3A_310 = arith.constant 31 : i32
        %eq3A_311 = arith.cmpi eq, %scan3A_295, %eq3A_310 : i32
        %add3A_312 = arith.addi %scan3A_306, %mul3A_6 : i32
        %add3A_313 = arith.constant 0 : i32
        %add3A_314 = arith.addi %scan3A_307, %add3A_313 : i32
        %sub3A_315 = arith.constant 1 : i32
        %sub3A_316 = arith.subi %scan3A_307, %sub3A_315 : i32
        %select_n3A_317 = arith.constant true
        %select_n3A_318 = arith.select %select_n3A_317, %sub3A_316, %scan3A_307 : i32
        %eq3A_319 = arith.constant -1 : i32
        %eq3A_320 = arith.cmpi eq, %select_n3A_318, %eq3A_319 : i32
        %select_n3A_321 = arith.constant 7 : i32
        %select_n3A_322 = arith.select %eq3A_320, %select_n3A_321, %select_n3A_318 : i32
        %sub3A_323 = arith.constant 1 : i32
        %sub3A_324 = arith.subi %scan3A_306, %sub3A_323 : i32
        %select_n3A_325 = arith.select %eq3A_320, %sub3A_324, %scan3A_306 : i32
        %eq3A_326 = arith.constant -1 : i32
        %eq3A_327 = arith.cmpi eq, %select_n3A_325, %eq3A_326 : i32
        %select_n3A_328 = arith.constant 3 : i32
        %select_n3A_329 = arith.select %eq3A_327, %select_n3A_328, %select_n3A_325 : i32
        %add3A_330 = arith.addi %select_n3A_329, %mul3A_6 : i32
        %add3A_331 = arith.constant 0 : i32
        %add3A_332 = arith.addi %select_n3A_322, %add3A_331 : i32
        %add3A_333 = arith.constant 1 : i32
        %add3A_334 = arith.addi %scan3A_307, %add3A_333 : i32
        %select_n3A_335 = arith.constant true
        %select_n3A_336 = arith.select %select_n3A_335, %add3A_334, %scan3A_307 : i32
        %eq3A_337 = arith.constant 8 : i32
        %eq3A_338 = arith.cmpi eq, %select_n3A_336, %eq3A_337 : i32
        %select_n3A_339 = arith.constant 0 : i32
        %select_n3A_340 = arith.select %eq3A_338, %select_n3A_339, %select_n3A_336 : i32
        %add3A_341 = arith.constant 1 : i32
        %add3A_342 = arith.addi %scan3A_306, %add3A_341 : i32
        %select_n3A_343 = arith.select %eq3A_338, %add3A_342, %scan3A_306 : i32
        %eq3A_344 = arith.constant 4 : i32
        %eq3A_345 = arith.cmpi eq, %select_n3A_343, %eq3A_344 : i32
        %select_n3A_346 = arith.constant 0 : i32
        %select_n3A_347 = arith.select %eq3A_345, %select_n3A_346, %select_n3A_343 : i32
        %add3A_348 = arith.addi %select_n3A_347, %mul3A_6 : i32
        %add3A_349 = arith.constant 0 : i32
        %add3A_350 = arith.addi %select_n3A_340, %add3A_349 : i32
        %add3A_351 = arith.constant 1 : i32
        %add3A_352 = arith.addi %select_n3A_340, %add3A_351 : i32
        %select_n3A_353 = arith.constant true
        %select_n3A_354 = arith.select %select_n3A_353, %add3A_352, %select_n3A_340 : i32
        %eq3A_355 = arith.constant 8 : i32
        %eq3A_356 = arith.cmpi eq, %select_n3A_354, %eq3A_355 : i32
        %select_n3A_357 = arith.constant 0 : i32
        %select_n3A_358 = arith.select %eq3A_356, %select_n3A_357, %select_n3A_354 : i32
        %add3A_359 = arith.constant 1 : i32
        %add3A_360 = arith.addi %select_n3A_347, %add3A_359 : i32
        %select_n3A_361 = arith.select %eq3A_356, %add3A_360, %select_n3A_347 : i32
        %eq3A_362 = arith.constant 4 : i32
        %eq3A_363 = arith.cmpi eq, %select_n3A_361, %eq3A_362 : i32
        %select_n3A_364 = arith.constant 0 : i32
        %select_n3A_365 = arith.select %eq3A_363, %select_n3A_364, %select_n3A_361 : i32
        %add3A_366 = arith.addi %select_n3A_365, %mul3A_6 : i32
        %add3A_367 = arith.constant 0 : i32
        %add3A_368 = arith.addi %select_n3A_358, %add3A_367 : i32
        %ne3A = arith.cmpi ne, %add3A_314, %add3A_350 : i32
        %ne3A_369 = arith.cmpi ne, %add3A_312, %add3A_348 : i32
        %or3A = arith.constant false
        %or3A_370 = arith.ori %or3A, %ne3A : i1
        %or3A_371 = arith.ori %or3A_370, %ne3A_369 : i1
        %ge3A = arith.constant 31 : i32
        %ge3A_372 = arith.cmpi sge, %scan3A_295, %ge3A : i32
        %not3A = arith.constant true
        %not3A_373 = arith.xori %ge3A_372, %not3A : i1
        %and3A = arith.andi %or3A_371, %not3A_373 : i1
        %convert_element_type3A = arith.extui %and3A : i1 to i32
        %cond3A = arith.constant 0 : i32
        %cond3A_374 = arith.cmpi ne, %convert_element_type3A, %cond3A : i32
        scf.if %cond3A_374 {
          "tpu.trace_start"() <{level = 10 : i32, message = "ep_copy_in"}> : () -> ()
          %rem3A_675 = arith.constant 2 : i32
          %rem3A_676 = arith.remui %scan3A_296, %rem3A_675 : i32
          %mul3A_677 = arith.constant 8 : i32
          %mul3A_678 = arith.muli %mul3A_677, %add3A_350 : i32
          %mul3A_679 = arith.constant 1024 : i32
          %mul3A_680 = arith.muli %mul3A_679, %add3A_348 : i32
          %eq3A_681 = arith.constant 781 : i32
          %eq3A_682 = arith.cmpi eq, %add3A_348, %eq3A_681 : i32
          %jit3A_683 = arith.constant 256 : i32
          %jit3A_684 = arith.constant 1024 : i32
          %select_n3A_685 = arith.select %eq3A_682, %jit3A_683, %jit3A_684 : i32
          %multiple_of3A_686 = tpu.assume_multiple %select_n3A_685, 128 : i32
          %mul3A_687 = arith.constant 1024 : i32
          %mul3A_688 = arith.muli %add3A_348, %mul3A_687 : i32
          %dma_start3A_689 = arith.constant 0 : i32
          %dma_start3A_690 = arith.constant 0 : i32
          %dma_start3A_691 = tpu.memref_slice %run_scoped3A[%rem3A_676, %dma_start3A_689, %dma_start3A_690] <%multiple_of3A_686> : memref<2x8x1024xf32, #tpu.memory_space<vmem>> -> memref<1x8x?xf32, #tpu.memory_space<vmem>>
          %dma_start3A_692 = tpu.memref_squeeze %dma_start3A_691 : memref<1x8x?xf32, #tpu.memory_space<vmem>> -> memref<8x?xf32, #tpu.memory_space<vmem>>
          %dma_start3A_693 = tpu.memref_slice %arg2[%mul3A_678, %mul3A_688] <%multiple_of3A_686> : memref<64x800000xf32, #tpu.memory_space<hbm>> -> memref<8x?xf32, #tpu.memory_space<hbm>>
          %dma_start3A_694 = tpu.memref_slice %run_scoped3A_7[%rem3A_676] : memref<2x!tpu.dma_semaphore, #tpu.memory_space<semaphore_mem>> -> memref<1x!tpu.dma_semaphore, #tpu.memory_space<semaphore_mem>>
          %dma_start3A_695 = tpu.memref_squeeze %dma_start3A_694 : memref<1x!tpu.dma_semaphore, #tpu.memory_space<semaphore_mem>> -> memref<!tpu.dma_semaphore, #tpu.memory_space<semaphore_mem>>
          %dma_start3A_696 = arith.constant 0 : i32
          %dma_start3A_697 = arith.constant 0 : i32
          %dma_start3A_698 = tpu.memref_slice %run_scoped3A[%rem3A_676, %dma_start3A_696, %dma_start3A_697] <%multiple_of3A_686> : memref<2x8x1024xf32, #tpu.memory_space<vmem>> -> memref<1x8x?xf32, #tpu.memory_space<vmem>>
          %dma_start3A_699 = tpu.memref_squeeze %dma_start3A_698 : memref<1x8x?xf32, #tpu.memory_space<vmem>> -> memref<8x?xf32, #tpu.memory_space<vmem>>
          %dma_start3A_700 = tpu.memref_slice %arg2[%mul3A_678, %mul3A_688] <%multiple_of3A_686> : memref<64x800000xf32, #tpu.memory_space<hbm>> -> memref<8x?xf32, #tpu.memory_space<hbm>>
          tpu.enqueue_dma source(%dma_start3A_700 : memref<8x?xf32, #tpu.memory_space<hbm>>) target(%dma_start3A_699 : memref<8x?xf32, #tpu.memory_space<vmem>>) target_semaphore(%dma_start3A_695 : memref<!tpu.dma_semaphore, #tpu.memory_space<semaphore_mem>>)
          "tpu.trace_stop"() : () -> ()
        } else {
        }
        %and3A_375 = arith.constant true
        %and3A_376 = arith.andi %and3A, %and3A_375 : i1
        %add3A_377 = arith.constant 1 : i32
        %add3A_378 = arith.addi %scan3A_296, %add3A_377 : i32
        %select_n3A_379 = arith.select %and3A_376, %add3A_378, %scan3A_296 : i32
        %ne3A_380 = arith.cmpi ne, %add3A_314, %add3A_350 : i32
        %ne3A_381 = arith.cmpi ne, %add3A_312, %add3A_348 : i32
        %or3A_382 = arith.constant false
        %or3A_383 = arith.ori %or3A_382, %ne3A_380 : i1
        %or3A_384 = arith.ori %or3A_383, %ne3A_381 : i1
        %ge3A_385 = arith.constant 31 : i32
        %ge3A_386 = arith.cmpi sge, %scan3A_295, %ge3A_385 : i32
        %not3A_387 = arith.constant true
        %not3A_388 = arith.xori %ge3A_386, %not3A_387 : i1
        %and3A_389 = arith.andi %or3A_384, %not3A_388 : i1
        %convert_element_type3A_390 = arith.extui %and3A_389 : i1 to i32
        %cond3A_391 = arith.constant 0 : i32
        %cond3A_392 = arith.cmpi ne, %convert_element_type3A_390, %cond3A_391 : i32
        scf.if %cond3A_392 {
          "tpu.trace_start"() <{level = 10 : i32, message = "ep_copy_in"}> : () -> ()
          %rem3A_675 = arith.constant 2 : i32
          %rem3A_676 = arith.remui %scan3A_298, %rem3A_675 : i32
          %mul3A_677 = arith.constant 8 : i32
          %mul3A_678 = arith.muli %mul3A_677, %add3A_350 : i32
          %mul3A_679 = arith.constant 1024 : i32
          %mul3A_680 = arith.muli %mul3A_679, %add3A_348 : i32
          %eq3A_681 = arith.constant 781 : i32
          %eq3A_682 = arith.cmpi eq, %add3A_348, %eq3A_681 : i32
          %jit3A_683 = arith.constant 256 : i32
          %jit3A_684 = arith.constant 1024 : i32
          %select_n3A_685 = arith.select %eq3A_682, %jit3A_683, %jit3A_684 : i32
          %multiple_of3A_686 = tpu.assume_multiple %select_n3A_685, 128 : i32
          %mul3A_687 = arith.constant 1024 : i32
          %mul3A_688 = arith.muli %add3A_348, %mul3A_687 : i32
          %dma_start3A_689 = arith.constant 0 : i32
          %dma_start3A_690 = arith.constant 0 : i32
          %dma_start3A_691 = tpu.memref_slice %run_scoped3A_8[%rem3A_676, %dma_start3A_689, %dma_start3A_690] <%multiple_of3A_686> : memref<2x8x1024xf32, #tpu.memory_space<vmem>> -> memref<1x8x?xf32, #tpu.memory_space<vmem>>
          %dma_start3A_692 = tpu.memref_squeeze %dma_start3A_691 : memref<1x8x?xf32, #tpu.memory_space<vmem>> -> memref<8x?xf32, #tpu.memory_space<vmem>>
          %dma_start3A_693 = tpu.memref_slice %arg3[%mul3A_678, %mul3A_688] <%multiple_of3A_686> : memref<64x800000xf32, #tpu.memory_space<hbm>> -> memref<8x?xf32, #tpu.memory_space<hbm>>
          %dma_start3A_694 = tpu.memref_slice %run_scoped3A_9[%rem3A_676] : memref<2x!tpu.dma_semaphore, #tpu.memory_space<semaphore_mem>> -> memref<1x!tpu.dma_semaphore, #tpu.memory_space<semaphore_mem>>
          %dma_start3A_695 = tpu.memref_squeeze %dma_start3A_694 : memref<1x!tpu.dma_semaphore, #tpu.memory_space<semaphore_mem>> -> memref<!tpu.dma_semaphore, #tpu.memory_space<semaphore_mem>>
          %dma_start3A_696 = arith.constant 0 : i32
          %dma_start3A_697 = arith.constant 0 : i32
          %dma_start3A_698 = tpu.memref_slice %run_scoped3A_8[%rem3A_676, %dma_start3A_696, %dma_start3A_697] <%multiple_of3A_686> : memref<2x8x1024xf32, #tpu.memory_space<vmem>> -> memref<1x8x?xf32, #tpu.memory_space<vmem>>
          %dma_start3A_699 = tpu.memref_squeeze %dma_start3A_698 : memref<1x8x?xf32, #tpu.memory_space<vmem>> -> memref<8x?xf32, #tpu.memory_space<vmem>>
          %dma_start3A_700 = tpu.memref_slice %arg3[%mul3A_678, %mul3A_688] <%multiple_of3A_686> : memref<64x800000xf32, #tpu.memory_space<hbm>> -> memref<8x?xf32, #tpu.memory_space<hbm>>
          tpu.enqueue_dma source(%dma_start3A_700 : memref<8x?xf32, #tpu.memory_space<hbm>>) target(%dma_start3A_699 : memref<8x?xf32, #tpu.memory_space<vmem>>) target_semaphore(%dma_start3A_695 : memref<!tpu.dma_semaphore, #tpu.memory_space<semaphore_mem>>)
          "tpu.trace_stop"() : () -> ()
        } else {
        }
        %and3A_393 = arith.constant true
        %and3A_394 = arith.andi %and3A_389, %and3A_393 : i1
        %add3A_395 = arith.constant 1 : i32
        %add3A_396 = arith.addi %scan3A_298, %add3A_395 : i32
        %select_n3A_397 = arith.select %and3A_394, %add3A_396, %scan3A_298 : i32
        %ne3A_398 = arith.cmpi ne, %add3A_314, %add3A_350 : i32
        %ne3A_399 = arith.cmpi ne, %add3A_312, %add3A_348 : i32
        %or3A_400 = arith.constant false
        %or3A_401 = arith.ori %or3A_400, %ne3A_398 : i1
        %or3A_402 = arith.ori %or3A_401, %ne3A_399 : i1
        %ge3A_403 = arith.constant 31 : i32
        %ge3A_404 = arith.cmpi sge, %scan3A_295, %ge3A_403 : i32
        %not3A_405 = arith.constant true
        %not3A_406 = arith.xori %ge3A_404, %not3A_405 : i1
        %and3A_407 = arith.andi %or3A_402, %not3A_406 : i1
        %convert_element_type3A_408 = arith.extui %and3A_407 : i1 to i32
        %cond3A_409 = arith.constant 0 : i32
        %cond3A_410 = arith.cmpi ne, %convert_element_type3A_408, %cond3A_409 : i32
        scf.if %cond3A_410 {
          "tpu.trace_start"() <{level = 10 : i32, message = "ep_copy_in"}> : () -> ()
          %rem3A_675 = arith.constant 2 : i32
          %rem3A_676 = arith.remui %scan3A_300, %rem3A_675 : i32
          %mul3A_677 = arith.constant 8 : i32
          %mul3A_678 = arith.muli %mul3A_677, %add3A_350 : i32
          %mul3A_679 = arith.constant 1024 : i32
          %mul3A_680 = arith.muli %mul3A_679, %add3A_348 : i32
          %eq3A_681 = arith.constant 781 : i32
          %eq3A_682 = arith.cmpi eq, %add3A_348, %eq3A_681 : i32
          %jit3A_683 = arith.constant 256 : i32
          %jit3A_684 = arith.constant 1024 : i32
          %select_n3A_685 = arith.select %eq3A_682, %jit3A_683, %jit3A_684 : i32
          %multiple_of3A_686 = tpu.assume_multiple %select_n3A_685, 128 : i32
          %mul3A_687 = arith.constant 1024 : i32
          %mul3A_688 = arith.muli %add3A_348, %mul3A_687 : i32
          %dma_start3A_689 = arith.constant 0 : i32
          %dma_start3A_690 = arith.constant 0 : i32
          %dma_start3A_691 = tpu.memref_slice %run_scoped3A_10[%rem3A_676, %dma_start3A_689, %dma_start3A_690] <%multiple_of3A_686> : memref<2x8x1024xf32, #tpu.memory_space<vmem>> -> memref<1x8x?xf32, #tpu.memory_space<vmem>>
          %dma_start3A_692 = tpu.memref_squeeze %dma_start3A_691 : memref<1x8x?xf32, #tpu.memory_space<vmem>> -> memref<8x?xf32, #tpu.memory_space<vmem>>
          %dma_start3A_693 = tpu.memref_slice %arg4[%mul3A_678, %mul3A_688] <%multiple_of3A_686> : memref<64x800000xf32, #tpu.memory_space<hbm>> -> memref<8x?xf32, #tpu.memory_space<hbm>>
          %dma_start3A_694 = tpu.memref_slice %run_scoped3A_11[%rem3A_676] : memref<2x!tpu.dma_semaphore, #tpu.memory_space<semaphore_mem>> -> memref<1x!tpu.dma_semaphore, #tpu.memory_space<semaphore_mem>>
          %dma_start3A_695 = tpu.memref_squeeze %dma_start3A_694 : memref<1x!tpu.dma_semaphore, #tpu.memory_space<semaphore_mem>> -> memref<!tpu.dma_semaphore, #tpu.memory_space<semaphore_mem>>
          %dma_start3A_696 = arith.constant 0 : i32
          %dma_start3A_697 = arith.constant 0 : i32
          %dma_start3A_698 = tpu.memref_slice %run_scoped3A_10[%rem3A_676, %dma_start3A_696, %dma_start3A_697] <%multiple_of3A_686> : memref<2x8x1024xf32, #tpu.memory_space<vmem>> -> memref<1x8x?xf32, #tpu.memory_space<vmem>>
          %dma_start3A_699 = tpu.memref_squeeze %dma_start3A_698 : memref<1x8x?xf32, #tpu.memory_space<vmem>> -> memref<8x?xf32, #tpu.memory_space<vmem>>
          %dma_start3A_700 = tpu.memref_slice %arg4[%mul3A_678, %mul3A_688] <%multiple_of3A_686> : memref<64x800000xf32, #tpu.memory_space<hbm>> -> memref<8x?xf32, #tpu.memory_space<hbm>>
          tpu.enqueue_dma source(%dma_start3A_700 : memref<8x?xf32, #tpu.memory_space<hbm>>) target(%dma_start3A_699 : memref<8x?xf32, #tpu.memory_space<vmem>>) target_semaphore(%dma_start3A_695 : memref<!tpu.dma_semaphore, #tpu.memory_space<semaphore_mem>>)
          "tpu.trace_stop"() : () -> ()
        } else {
        }
        %and3A_411 = arith.constant true
        %and3A_412 = arith.andi %and3A_407, %and3A_411 : i1
        %add3A_413 = arith.constant 1 : i32
        %add3A_414 = arith.addi %scan3A_300, %add3A_413 : i32
        %select_n3A_415 = arith.select %and3A_412, %add3A_414, %scan3A_300 : i32
        %ne3A_416 = arith.cmpi ne, %add3A_314, %add3A_350 : i32
        %ne3A_417 = arith.cmpi ne, %add3A_312, %add3A_348 : i32
        %or3A_418 = arith.constant false
        %or3A_419 = arith.ori %or3A_418, %ne3A_416 : i1
        %or3A_420 = arith.ori %or3A_419, %ne3A_417 : i1
        %ge3A_421 = arith.constant 31 : i32
        %ge3A_422 = arith.cmpi sge, %scan3A_295, %ge3A_421 : i32
        %not3A_423 = arith.constant true
        %not3A_424 = arith.xori %ge3A_422, %not3A_423 : i1
        %and3A_425 = arith.andi %or3A_420, %not3A_424 : i1
        %convert_element_type3A_426 = arith.extui %and3A_425 : i1 to i32
        %cond3A_427 = arith.constant 0 : i32
        %cond3A_428 = arith.cmpi ne, %convert_element_type3A_426, %cond3A_427 : i32
        scf.if %cond3A_428 {
          "tpu.trace_start"() <{level = 10 : i32, message = "ep_copy_in"}> : () -> ()
          %rem3A_675 = arith.constant 2 : i32
          %rem3A_676 = arith.remui %scan3A_302, %rem3A_675 : i32
          %mul3A_677 = arith.constant 8 : i32
          %mul3A_678 = arith.muli %mul3A_677, %add3A_350 : i32
          %mul3A_679 = arith.constant 1024 : i32
          %mul3A_680 = arith.muli %mul3A_679, %add3A_348 : i32
          %eq3A_681 = arith.constant 781 : i32
          %eq3A_682 = arith.cmpi eq, %add3A_348, %eq3A_681 : i32
          %jit3A_683 = arith.constant 256 : i32
          %jit3A_684 = arith.constant 1024 : i32
          %select_n3A_685 = arith.select %eq3A_682, %jit3A_683, %jit3A_684 : i32
          %multiple_of3A_686 = tpu.assume_multiple %select_n3A_685, 128 : i32
          %mul3A_687 = arith.constant 1024 : i32
          %mul3A_688 = arith.muli %add3A_348, %mul3A_687 : i32
          %dma_start3A_689 = arith.constant 0 : i32
          %dma_start3A_690 = arith.constant 0 : i32
          %dma_start3A_691 = tpu.memref_slice %run_scoped3A_12[%rem3A_676, %dma_start3A_689, %dma_start3A_690] <%multiple_of3A_686> : memref<2x8x1024xf32, #tpu.memory_space<vmem>> -> memref<1x8x?xf32, #tpu.memory_space<vmem>>
          %dma_start3A_692 = tpu.memref_squeeze %dma_start3A_691 : memref<1x8x?xf32, #tpu.memory_space<vmem>> -> memref<8x?xf32, #tpu.memory_space<vmem>>
          %dma_start3A_693 = tpu.memref_slice %arg5[%mul3A_678, %mul3A_688] <%multiple_of3A_686> : memref<64x800000xf32, #tpu.memory_space<hbm>> -> memref<8x?xf32, #tpu.memory_space<hbm>>
          %dma_start3A_694 = tpu.memref_slice %run_scoped3A_13[%rem3A_676] : memref<2x!tpu.dma_semaphore, #tpu.memory_space<semaphore_mem>> -> memref<1x!tpu.dma_semaphore, #tpu.memory_space<semaphore_mem>>
          %dma_start3A_695 = tpu.memref_squeeze %dma_start3A_694 : memref<1x!tpu.dma_semaphore, #tpu.memory_space<semaphore_mem>> -> memref<!tpu.dma_semaphore, #tpu.memory_space<semaphore_mem>>
          %dma_start3A_696 = arith.constant 0 : i32
          %dma_start3A_697 = arith.constant 0 : i32
          %dma_start3A_698 = tpu.memref_slice %run_scoped3A_12[%rem3A_676, %dma_start3A_696, %dma_start3A_697] <%multiple_of3A_686> : memref<2x8x1024xf32, #tpu.memory_space<vmem>> -> memref<1x8x?xf32, #tpu.memory_space<vmem>>
          %dma_start3A_699 = tpu.memref_squeeze %dma_start3A_698 : memref<1x8x?xf32, #tpu.memory_space<vmem>> -> memref<8x?xf32, #tpu.memory_space<vmem>>
          %dma_start3A_700 = tpu.memref_slice %arg5[%mul3A_678, %mul3A_688] <%multiple_of3A_686> : memref<64x800000xf32, #tpu.memory_space<hbm>> -> memref<8x?xf32, #tpu.memory_space<hbm>>
          tpu.enqueue_dma source(%dma_start3A_700 : memref<8x?xf32, #tpu.memory_space<hbm>>) target(%dma_start3A_699 : memref<8x?xf32, #tpu.memory_space<vmem>>) target_semaphore(%dma_start3A_695 : memref<!tpu.dma_semaphore, #tpu.memory_space<semaphore_mem>>)
          "tpu.trace_stop"() : () -> ()
        } else {
        }
        %and3A_429 = arith.constant true
        %and3A_430 = arith.andi %and3A_425, %and3A_429 : i1
        %add3A_431 = arith.constant 1 : i32
        %add3A_432 = arith.addi %scan3A_302, %add3A_431 : i32
        %select_n3A_433 = arith.select %and3A_430, %add3A_432, %scan3A_302 : i32
        %ne3A_434 = arith.cmpi ne, %add3A_312, %add3A_348 : i32
        %or3A_435 = arith.constant false
        %or3A_436 = arith.ori %or3A_435, %ne3A_434 : i1
        %ge3A_437 = arith.constant 31 : i32
        %ge3A_438 = arith.cmpi sge, %scan3A_295, %ge3A_437 : i32
        %not3A_439 = arith.constant true
        %not3A_440 = arith.xori %ge3A_438, %not3A_439 : i1
        %and3A_441 = arith.andi %or3A_436, %not3A_440 : i1
        %ne3A_442 = arith.cmpi ne, %add3A_314, %add3A_332 : i32
        %ne3A_443 = arith.cmpi ne, %add3A_312, %add3A_330 : i32
        %or3A_444 = arith.constant false
        %or3A_445 = arith.ori %or3A_444, %ne3A_442 : i1
        %or3A_446 = arith.ori %or3A_445, %ne3A_443 : i1
        %or3A_447 = arith.ori %or3A_446, %eq3A_309 : i1
        %convert_element_type3A_448 = arith.extui %or3A_447 : i1 to i32
        %cond3A_449 = arith.constant 0 : i32
        %cond3A_450 = arith.cmpi ne, %convert_element_type3A_448, %cond3A_449 : i32
        scf.if %cond3A_450 {
          "tpu.trace_start"() <{level = 10 : i32, message = "ep_wait_in"}> : () -> ()
          %mul3A_675 = arith.constant 8 : i32
          %mul3A_676 = arith.muli %mul3A_675, %add3A_314 : i32
          %mul3A_677 = arith.constant 1024 : i32
          %mul3A_678 = arith.muli %mul3A_677, %add3A_312 : i32
          %eq3A_679 = arith.constant 781 : i32
          %eq3A_680 = arith.cmpi eq, %add3A_312, %eq3A_679 : i32
          %jit3A_681 = arith.constant 256 : i32
          %jit3A_682 = arith.constant 1024 : i32
          %select_n3A_683 = arith.select %eq3A_680, %jit3A_681, %jit3A_682 : i32
          %multiple_of3A_684 = tpu.assume_multiple %select_n3A_683, 128 : i32
          %mul3A_685 = arith.constant 1024 : i32
          %mul3A_686 = arith.muli %add3A_312, %mul3A_685 : i32
          %rem3A_687 = arith.constant 2 : i32
          %rem3A_688 = arith.remui %scan3A_297, %rem3A_687 : i32
          %dma_wait3A_689 = arith.constant 0 : i32
          %dma_wait3A_690 = arith.constant 0 : i32
          %dma_wait3A_691 = tpu.memref_slice %run_scoped3A[%rem3A_688, %dma_wait3A_689, %dma_wait3A_690] <%multiple_of3A_684> : memref<2x8x1024xf32, #tpu.memory_space<vmem>> -> memref<1x8x?xf32, #tpu.memory_space<vmem>>
          %dma_wait3A_692 = tpu.memref_squeeze %dma_wait3A_691 : memref<1x8x?xf32, #tpu.memory_space<vmem>> -> memref<8x?xf32, #tpu.memory_space<vmem>>
          %dma_wait3A_693 = tpu.memref_slice %arg2[%mul3A_676, %mul3A_686] <%multiple_of3A_684> : memref<64x800000xf32, #tpu.memory_space<hbm>> -> memref<8x?xf32, #tpu.memory_space<hbm>>
          %dma_wait3A_694 = tpu.memref_slice %run_scoped3A_7[%rem3A_688] : memref<2x!tpu.dma_semaphore, #tpu.memory_space<semaphore_mem>> -> memref<1x!tpu.dma_semaphore, #tpu.memory_space<semaphore_mem>>
          %dma_wait3A_695 = tpu.memref_squeeze %dma_wait3A_694 : memref<1x!tpu.dma_semaphore, #tpu.memory_space<semaphore_mem>> -> memref<!tpu.dma_semaphore, #tpu.memory_space<semaphore_mem>>
          %dma_wait3A_696 = arith.constant 0 : i32
          %dma_wait3A_697 = arith.constant 0 : i32
          %dma_wait3A_698 = tpu.memref_slice %run_scoped3A[%rem3A_688, %dma_wait3A_696, %dma_wait3A_697] <%multiple_of3A_684> : memref<2x8x1024xf32, #tpu.memory_space<vmem>> -> memref<1x8x?xf32, #tpu.memory_space<vmem>>
          %dma_wait3A_699 = tpu.memref_squeeze %dma_wait3A_698 : memref<1x8x?xf32, #tpu.memory_space<vmem>> -> memref<8x?xf32, #tpu.memory_space<vmem>>
          %dma_wait3A_700 = tpu.memref_slice %arg2[%mul3A_676, %mul3A_686] <%multiple_of3A_684> : memref<64x800000xf32, #tpu.memory_space<hbm>> -> memref<8x?xf32, #tpu.memory_space<hbm>>
          tpu.wait_dma2 semaphore(%dma_wait3A_695 : memref<!tpu.dma_semaphore, #tpu.memory_space<semaphore_mem>>) src(%dma_wait3A_700 : memref<8x?xf32, #tpu.memory_space<hbm>>) dst(%dma_wait3A_699 : memref<8x?xf32, #tpu.memory_space<vmem>>)
          "tpu.trace_stop"() : () -> ()
        } else {
        }
        %ne3A_451 = arith.cmpi ne, %add3A_314, %add3A_332 : i32
        %ne3A_452 = arith.cmpi ne, %add3A_312, %add3A_330 : i32
        %or3A_453 = arith.constant false
        %or3A_454 = arith.ori %or3A_453, %ne3A_451 : i1
        %or3A_455 = arith.ori %or3A_454, %ne3A_452 : i1
        %or3A_456 = arith.ori %or3A_455, %eq3A_309 : i1
        %convert_element_type3A_457 = arith.extui %or3A_456 : i1 to i32
        %cond3A_458 = arith.constant 0 : i32
        %cond3A_459 = arith.cmpi ne, %convert_element_type3A_457, %cond3A_458 : i32
        scf.if %cond3A_459 {
          "tpu.trace_start"() <{level = 10 : i32, message = "ep_wait_in"}> : () -> ()
          %mul3A_675 = arith.constant 8 : i32
          %mul3A_676 = arith.muli %mul3A_675, %add3A_314 : i32
          %mul3A_677 = arith.constant 1024 : i32
          %mul3A_678 = arith.muli %mul3A_677, %add3A_312 : i32
          %eq3A_679 = arith.constant 781 : i32
          %eq3A_680 = arith.cmpi eq, %add3A_312, %eq3A_679 : i32
          %jit3A_681 = arith.constant 256 : i32
          %jit3A_682 = arith.constant 1024 : i32
          %select_n3A_683 = arith.select %eq3A_680, %jit3A_681, %jit3A_682 : i32
          %multiple_of3A_684 = tpu.assume_multiple %select_n3A_683, 128 : i32
          %mul3A_685 = arith.constant 1024 : i32
          %mul3A_686 = arith.muli %add3A_312, %mul3A_685 : i32
          %rem3A_687 = arith.constant 2 : i32
          %rem3A_688 = arith.remui %scan3A_299, %rem3A_687 : i32
          %dma_wait3A_689 = arith.constant 0 : i32
          %dma_wait3A_690 = arith.constant 0 : i32
          %dma_wait3A_691 = tpu.memref_slice %run_scoped3A_8[%rem3A_688, %dma_wait3A_689, %dma_wait3A_690] <%multiple_of3A_684> : memref<2x8x1024xf32, #tpu.memory_space<vmem>> -> memref<1x8x?xf32, #tpu.memory_space<vmem>>
          %dma_wait3A_692 = tpu.memref_squeeze %dma_wait3A_691 : memref<1x8x?xf32, #tpu.memory_space<vmem>> -> memref<8x?xf32, #tpu.memory_space<vmem>>
          %dma_wait3A_693 = tpu.memref_slice %arg3[%mul3A_676, %mul3A_686] <%multiple_of3A_684> : memref<64x800000xf32, #tpu.memory_space<hbm>> -> memref<8x?xf32, #tpu.memory_space<hbm>>
          %dma_wait3A_694 = tpu.memref_slice %run_scoped3A_9[%rem3A_688] : memref<2x!tpu.dma_semaphore, #tpu.memory_space<semaphore_mem>> -> memref<1x!tpu.dma_semaphore, #tpu.memory_space<semaphore_mem>>
          %dma_wait3A_695 = tpu.memref_squeeze %dma_wait3A_694 : memref<1x!tpu.dma_semaphore, #tpu.memory_space<semaphore_mem>> -> memref<!tpu.dma_semaphore, #tpu.memory_space<semaphore_mem>>
          %dma_wait3A_696 = arith.constant 0 : i32
          %dma_wait3A_697 = arith.constant 0 : i32
          %dma_wait3A_698 = tpu.memref_slice %run_scoped3A_8[%rem3A_688, %dma_wait3A_696, %dma_wait3A_697] <%multiple_of3A_684> : memref<2x8x1024xf32, #tpu.memory_space<vmem>> -> memref<1x8x?xf32, #tpu.memory_space<vmem>>
          %dma_wait3A_699 = tpu.memref_squeeze %dma_wait3A_698 : memref<1x8x?xf32, #tpu.memory_space<vmem>> -> memref<8x?xf32, #tpu.memory_space<vmem>>
          %dma_wait3A_700 = tpu.memref_slice %arg3[%mul3A_676, %mul3A_686] <%multiple_of3A_684> : memref<64x800000xf32, #tpu.memory_space<hbm>> -> memref<8x?xf32, #tpu.memory_space<hbm>>
          tpu.wait_dma2 semaphore(%dma_wait3A_695 : memref<!tpu.dma_semaphore, #tpu.memory_space<semaphore_mem>>) src(%dma_wait3A_700 : memref<8x?xf32, #tpu.memory_space<hbm>>) dst(%dma_wait3A_699 : memref<8x?xf32, #tpu.memory_space<vmem>>)
          "tpu.trace_stop"() : () -> ()
        } else {
        }
        %ne3A_460 = arith.cmpi ne, %add3A_314, %add3A_332 : i32
        %ne3A_461 = arith.cmpi ne, %add3A_312, %add3A_330 : i32
        %or3A_462 = arith.constant false
        %or3A_463 = arith.ori %or3A_462, %ne3A_460 : i1
        %or3A_464 = arith.ori %or3A_463, %ne3A_461 : i1
        %or3A_465 = arith.ori %or3A_464, %eq3A_309 : i1
        %convert_element_type3A_466 = arith.extui %or3A_465 : i1 to i32
        %cond3A_467 = arith.constant 0 : i32
        %cond3A_468 = arith.cmpi ne, %convert_element_type3A_466, %cond3A_467 : i32
        scf.if %cond3A_468 {
          "tpu.trace_start"() <{level = 10 : i32, message = "ep_wait_in"}> : () -> ()
          %mul3A_675 = arith.constant 8 : i32
          %mul3A_676 = arith.muli %mul3A_675, %add3A_314 : i32
          %mul3A_677 = arith.constant 1024 : i32
          %mul3A_678 = arith.muli %mul3A_677, %add3A_312 : i32
          %eq3A_679 = arith.constant 781 : i32
          %eq3A_680 = arith.cmpi eq, %add3A_312, %eq3A_679 : i32
          %jit3A_681 = arith.constant 256 : i32
          %jit3A_682 = arith.constant 1024 : i32
          %select_n3A_683 = arith.select %eq3A_680, %jit3A_681, %jit3A_682 : i32
          %multiple_of3A_684 = tpu.assume_multiple %select_n3A_683, 128 : i32
          %mul3A_685 = arith.constant 1024 : i32
          %mul3A_686 = arith.muli %add3A_312, %mul3A_685 : i32
          %rem3A_687 = arith.constant 2 : i32
          %rem3A_688 = arith.remui %scan3A_301, %rem3A_687 : i32
          %dma_wait3A_689 = arith.constant 0 : i32
          %dma_wait3A_690 = arith.constant 0 : i32
          %dma_wait3A_691 = tpu.memref_slice %run_scoped3A_10[%rem3A_688, %dma_wait3A_689, %dma_wait3A_690] <%multiple_of3A_684> : memref<2x8x1024xf32, #tpu.memory_space<vmem>> -> memref<1x8x?xf32, #tpu.memory_space<vmem>>
          %dma_wait3A_692 = tpu.memref_squeeze %dma_wait3A_691 : memref<1x8x?xf32, #tpu.memory_space<vmem>> -> memref<8x?xf32, #tpu.memory_space<vmem>>
          %dma_wait3A_693 = tpu.memref_slice %arg4[%mul3A_676, %mul3A_686] <%multiple_of3A_684> : memref<64x800000xf32, #tpu.memory_space<hbm>> -> memref<8x?xf32, #tpu.memory_space<hbm>>
          %dma_wait3A_694 = tpu.memref_slice %run_scoped3A_11[%rem3A_688] : memref<2x!tpu.dma_semaphore, #tpu.memory_space<semaphore_mem>> -> memref<1x!tpu.dma_semaphore, #tpu.memory_space<semaphore_mem>>
          %dma_wait3A_695 = tpu.memref_squeeze %dma_wait3A_694 : memref<1x!tpu.dma_semaphore, #tpu.memory_space<semaphore_mem>> -> memref<!tpu.dma_semaphore, #tpu.memory_space<semaphore_mem>>
          %dma_wait3A_696 = arith.constant 0 : i32
          %dma_wait3A_697 = arith.constant 0 : i32
          %dma_wait3A_698 = tpu.memref_slice %run_scoped3A_10[%rem3A_688, %dma_wait3A_696, %dma_wait3A_697] <%multiple_of3A_684> : memref<2x8x1024xf32, #tpu.memory_space<vmem>> -> memref<1x8x?xf32, #tpu.memory_space<vmem>>
          %dma_wait3A_699 = tpu.memref_squeeze %dma_wait3A_698 : memref<1x8x?xf32, #tpu.memory_space<vmem>> -> memref<8x?xf32, #tpu.memory_space<vmem>>
          %dma_wait3A_700 = tpu.memref_slice %arg4[%mul3A_676, %mul3A_686] <%multiple_of3A_684> : memref<64x800000xf32, #tpu.memory_space<hbm>> -> memref<8x?xf32, #tpu.memory_space<hbm>>
          tpu.wait_dma2 semaphore(%dma_wait3A_695 : memref<!tpu.dma_semaphore, #tpu.memory_space<semaphore_mem>>) src(%dma_wait3A_700 : memref<8x?xf32, #tpu.memory_space<hbm>>) dst(%dma_wait3A_699 : memref<8x?xf32, #tpu.memory_space<vmem>>)
          "tpu.trace_stop"() : () -> ()
        } else {
        }
        %ne3A_469 = arith.cmpi ne, %add3A_314, %add3A_332 : i32
        %ne3A_470 = arith.cmpi ne, %add3A_312, %add3A_330 : i32
        %or3A_471 = arith.constant false
        %or3A_472 = arith.ori %or3A_471, %ne3A_469 : i1
        %or3A_473 = arith.ori %or3A_472, %ne3A_470 : i1
        %or3A_474 = arith.ori %or3A_473, %eq3A_309 : i1
        %convert_element_type3A_475 = arith.extui %or3A_474 : i1 to i32
        %cond3A_476 = arith.constant 0 : i32
        %cond3A_477 = arith.cmpi ne, %convert_element_type3A_475, %cond3A_476 : i32
        scf.if %cond3A_477 {
          "tpu.trace_start"() <{level = 10 : i32, message = "ep_wait_in"}> : () -> ()
          %mul3A_675 = arith.constant 8 : i32
          %mul3A_676 = arith.muli %mul3A_675, %add3A_314 : i32
          %mul3A_677 = arith.constant 1024 : i32
          %mul3A_678 = arith.muli %mul3A_677, %add3A_312 : i32
          %eq3A_679 = arith.constant 781 : i32
          %eq3A_680 = arith.cmpi eq, %add3A_312, %eq3A_679 : i32
          %jit3A_681 = arith.constant 256 : i32
          %jit3A_682 = arith.constant 1024 : i32
          %select_n3A_683 = arith.select %eq3A_680, %jit3A_681, %jit3A_682 : i32
          %multiple_of3A_684 = tpu.assume_multiple %select_n3A_683, 128 : i32
          %mul3A_685 = arith.constant 1024 : i32
          %mul3A_686 = arith.muli %add3A_312, %mul3A_685 : i32
          %rem3A_687 = arith.constant 2 : i32
          %rem3A_688 = arith.remui %scan3A_303, %rem3A_687 : i32
          %dma_wait3A_689 = arith.constant 0 : i32
          %dma_wait3A_690 = arith.constant 0 : i32
          %dma_wait3A_691 = tpu.memref_slice %run_scoped3A_12[%rem3A_688, %dma_wait3A_689, %dma_wait3A_690] <%multiple_of3A_684> : memref<2x8x1024xf32, #tpu.memory_space<vmem>> -> memref<1x8x?xf32, #tpu.memory_space<vmem>>
          %dma_wait3A_692 = tpu.memref_squeeze %dma_wait3A_691 : memref<1x8x?xf32, #tpu.memory_space<vmem>> -> memref<8x?xf32, #tpu.memory_space<vmem>>
          %dma_wait3A_693 = tpu.memref_slice %arg5[%mul3A_676, %mul3A_686] <%multiple_of3A_684> : memref<64x800000xf32, #tpu.memory_space<hbm>> -> memref<8x?xf32, #tpu.memory_space<hbm>>
          %dma_wait3A_694 = tpu.memref_slice %run_scoped3A_13[%rem3A_688] : memref<2x!tpu.dma_semaphore, #tpu.memory_space<semaphore_mem>> -> memref<1x!tpu.dma_semaphore, #tpu.memory_space<semaphore_mem>>
          %dma_wait3A_695 = tpu.memref_squeeze %dma_wait3A_694 : memref<1x!tpu.dma_semaphore, #tpu.memory_space<semaphore_mem>> -> memref<!tpu.dma_semaphore, #tpu.memory_space<semaphore_mem>>
          %dma_wait3A_696 = arith.constant 0 : i32
          %dma_wait3A_697 = arith.constant 0 : i32
          %dma_wait3A_698 = tpu.memref_slice %run_scoped3A_12[%rem3A_688, %dma_wait3A_696, %dma_wait3A_697] <%multiple_of3A_684> : memref<2x8x1024xf32, #tpu.memory_space<vmem>> -> memref<1x8x?xf32, #tpu.memory_space<vmem>>
          %dma_wait3A_699 = tpu.memref_squeeze %dma_wait3A_698 : memref<1x8x?xf32, #tpu.memory_space<vmem>> -> memref<8x?xf32, #tpu.memory_space<vmem>>
          %dma_wait3A_700 = tpu.memref_slice %arg5[%mul3A_676, %mul3A_686] <%multiple_of3A_684> : memref<64x800000xf32, #tpu.memory_space<hbm>> -> memref<8x?xf32, #tpu.memory_space<hbm>>
          tpu.wait_dma2 semaphore(%dma_wait3A_695 : memref<!tpu.dma_semaphore, #tpu.memory_space<semaphore_mem>>) src(%dma_wait3A_700 : memref<8x?xf32, #tpu.memory_space<hbm>>) dst(%dma_wait3A_699 : memref<8x?xf32, #tpu.memory_space<vmem>>)
          "tpu.trace_stop"() : () -> ()
        } else {
        }
        %ne3A_478 = arith.cmpi ne, %add3A_312, %add3A_330 : i32
        %or3A_479 = arith.constant false
        %or3A_480 = arith.ori %or3A_479, %ne3A_478 : i1
        %or3A_481 = arith.ori %or3A_480, %eq3A_309 : i1
        %convert_element_type3A_482 = arith.extui %or3A_481 : i1 to i32
        %cond3A_483 = arith.constant 0 : i32
        %cond3A_484 = arith.cmpi ne, %convert_element_type3A_482, %cond3A_483 : i32
        scf.if %cond3A_484 {
        } else {
        }
        %rem3A_485 = arith.constant 2 : i32
        %rem3A_486 = arith.remui %scan3A_297, %rem3A_485 : i32
        %rem3A_487 = arith.constant 2 : i32
        %rem3A_488 = arith.remui %scan3A_299, %rem3A_487 : i32
        %rem3A_489 = arith.constant 2 : i32
        %rem3A_490 = arith.remui %scan3A_301, %rem3A_489 : i32
        %rem3A_491 = arith.constant 2 : i32
        %rem3A_492 = arith.remui %scan3A_303, %rem3A_491 : i32
        %rem3A_493 = arith.constant 2 : i32
        %rem3A_494 = arith.remui %scan3A_304, %rem3A_493 : i32
        %mul3A_495 = arith.constant 1024 : i32
        %mul3A_496 = arith.muli %rem3A_494, %mul3A_495 : i32
        "tpu.trace_start"() <{level = 10 : i32, message = "ep_run_kernel"}> : () -> ()
        %scan3A_497 = arith.constant 0 : i32
        %scan3A_498 = arith.constant 64 : i32
        %scan3A_499 = arith.addi %scan3A_497, %scan3A_498 : i32
        %scan3A_500 = arith.constant 1 : i32
        scf.for %scan3A_675 = %scan3A_497 to %scan3A_499 step %scan3A_500  : i32 {
          %mul3A_676 = arith.constant 16 : i32
          %mul3A_677 = arith.muli %scan3A_675, %mul3A_676 : i32
          %add3A_678 = arith.constant 0 : i32
          %add3A_679 = arith.addi %add3A_678, %mul3A_677 : i32
          %broadcast_in_dim3A = arith.constant 0.000000e+00 : f32
          %broadcast_in_dim3A_680 = vector.broadcast %broadcast_in_dim3A : f32 to vector<16xf32>
          %scan3A_681 = arith.constant 0 : i32
          %scan3A_682 = arith.constant 8 : i32
          %scan3A_683 = arith.addi %scan3A_681, %scan3A_682 : i32
          %scan3A_684 = arith.constant 1 : i32
          %scan3A_685 = scf.for %scan3A_697 = %scan3A_681 to %scan3A_683 step %scan3A_684 iter_args(%scan3A_698 = %broadcast_in_dim3A_680) -> (vector<16xf32>)  : i32 {
            %get3A = arith.constant 0 : i32
            %get3A_699 = arith.constant 0 : i32
            %get3A_700 = tpu.memref_slice %run_scoped3A[%rem3A_486, %get3A, %get3A_699] : memref<2x8x1024xf32, #tpu.memory_space<vmem>> -> memref<1x8x1024xf32, #tpu.memory_space<vmem>>
            %get3A_701 = tpu.memref_squeeze %get3A_700 : memref<1x8x1024xf32, #tpu.memory_space<vmem>> -> memref<8x1024xf32, #tpu.memory_space<vmem>>
            %get3A_702 = arith.index_cast %scan3A_697 : i32 to index
            %get3A_703 = arith.index_cast %add3A_679 : i32 to index
            %get3A_704 = tpu.vector_load %get3A_701[%get3A_702, %get3A_703] {strides = array<i32>} : memref<8x1024xf32, #tpu.memory_space<vmem>>, vector<1x16xf32>,
            %get3A_705 = vector.shape_cast %get3A_704 : vector<1x16xf32> to vector<16xf32>
            %get3A_706 = arith.constant 0 : i32
            %get3A_707 = arith.constant 0 : i32
            %get3A_708 = tpu.memref_slice %run_scoped3A_8[%rem3A_488, %get3A_706, %get3A_707] : memref<2x8x1024xf32, #tpu.memory_space<vmem>> -> memref<1x8x1024xf32, #tpu.memory_space<vmem>>
            %get3A_709 = tpu.memref_squeeze %get3A_708 : memref<1x8x1024xf32, #tpu.memory_space<vmem>> -> memref<8x1024xf32, #tpu.memory_space<vmem>>
            %get3A_710 = arith.index_cast %scan3A_697 : i32 to index
            %get3A_711 = arith.index_cast %add3A_679 : i32 to index
            %get3A_712 = tpu.vector_load %get3A_709[%get3A_710, %get3A_711] {strides = array<i32>} : memref<8x1024xf32, #tpu.memory_space<vmem>>, vector<1x16xf32>,
            %get3A_713 = vector.shape_cast %get3A_712 : vector<1x16xf32> to vector<16xf32>
            %mul3A_714 = arith.mulf %get3A_705, %get3A_713 : vector<16xf32>
            %add3A_715 = arith.addf %scan3A_698, %mul3A_714 : vector<16xf32>
            %get3A_716 = arith.constant 0 : i32
            %get3A_717 = arith.constant 0 : i32
            %get3A_718 = tpu.memref_slice %run_scoped3A_10[%rem3A_490, %get3A_716, %get3A_717] : memref<2x8x1024xf32, #tpu.memory_space<vmem>> -> memref<1x8x1024xf32, #tpu.memory_space<vmem>>
            %get3A_719 = tpu.memref_squeeze %get3A_718 : memref<1x8x1024xf32, #tpu.memory_space<vmem>> -> memref<8x1024xf32, #tpu.memory_space<vmem>>
            %get3A_720 = arith.index_cast %scan3A_697 : i32 to index
            %get3A_721 = arith.index_cast %add3A_679 : i32 to index
            %get3A_722 = tpu.vector_load %get3A_719[%get3A_720, %get3A_721] {strides = array<i32>} : memref<8x1024xf32, #tpu.memory_space<vmem>>, vector<1x16xf32>,
            %get3A_723 = vector.shape_cast %get3A_722 : vector<1x16xf32> to vector<16xf32>
            %get3A_724 = arith.constant 0 : i32
            %get3A_725 = arith.constant 0 : i32
            %get3A_726 = tpu.memref_slice %run_scoped3A_12[%rem3A_492, %get3A_724, %get3A_725] : memref<2x8x1024xf32, #tpu.memory_space<vmem>> -> memref<1x8x1024xf32, #tpu.memory_space<vmem>>
            %get3A_727 = tpu.memref_squeeze %get3A_726 : memref<1x8x1024xf32, #tpu.memory_space<vmem>> -> memref<8x1024xf32, #tpu.memory_space<vmem>>
            %get3A_728 = arith.index_cast %scan3A_697 : i32 to index
            %get3A_729 = arith.index_cast %add3A_679 : i32 to index
            %get3A_730 = tpu.vector_load %get3A_727[%get3A_728, %get3A_729] {strides = array<i32>} : memref<8x1024xf32, #tpu.memory_space<vmem>>, vector<1x16xf32>,
            %get3A_731 = vector.shape_cast %get3A_730 : vector<1x16xf32> to vector<16xf32>
            %mul3A_732 = arith.mulf %get3A_723, %get3A_731 : vector<16xf32>
            %add3A_733 = arith.addf %add3A_715, %mul3A_732 : vector<16xf32>
            scf.yield %add3A_733 : vector<16xf32>
          }
          %scan3A_686 = arith.constant 8 : i32
          %eq3A_687 = arith.constant 0 : i32
          %eq3A_688 = arith.cmpi eq, %add3A_314, %eq3A_687 : i32
          %convert_element_type3A_689 = arith.extui %eq3A_688 : i1 to i32
          %cond3A_690 = arith.constant 0 : i32
          %cond3A_691 = arith.cmpi ne, %convert_element_type3A_689, %cond3A_690 : i32
          scf.if %cond3A_691 {
            %swap3A = tpu.memref_slice %run_scoped3A_14[%mul3A_496] : memref<2048xf32, #tpu.memory_space<vmem>> -> memref<1024xf32, #tpu.memory_space<vmem>>
            %swap3A_697 = arith.index_cast %add3A_679 : i32 to index
            %swap3A_698 = tpu.vector_load %swap3A[%swap3A_697] {strides = array<i32>} : memref<1024xf32, #tpu.memory_space<vmem>>, vector<16xf32>,
            %swap3A_699 = vector.shape_cast %swap3A_698 : vector<16xf32> to vector<16xf32>
            %swap3A_700 = vector.shape_cast %scan3A_685 : vector<16xf32> to vector<16xf32>
            tpu.vector_store %swap3A[%swap3A_697], %swap3A_700 {strides = array<i32>} : memref<1024xf32, #tpu.memory_space<vmem>>, vector<16xf32>,
          } else {
          }
          %ne3A_692 = arith.constant 0 : i32
          %ne3A_693 = arith.cmpi ne, %add3A_314, %ne3A_692 : i32
          %convert_element_type3A_694 = arith.extui %ne3A_693 : i1 to i32
          %cond3A_695 = arith.constant 0 : i32
          %cond3A_696 = arith.cmpi ne, %convert_element_type3A_694, %cond3A_695 : i32
          scf.if %cond3A_696 {
            %get3A = tpu.memref_slice %run_scoped3A_14[%mul3A_496] : memref<2048xf32, #tpu.memory_space<vmem>> -> memref<1024xf32, #tpu.memory_space<vmem>>
            %get3A_697 = arith.index_cast %add3A_679 : i32 to index
            %get3A_698 = tpu.vector_load %get3A[%get3A_697] {strides = array<i32>} : memref<1024xf32, #tpu.memory_space<vmem>>, vector<16xf32>,
            %get3A_699 = vector.shape_cast %get3A_698 : vector<16xf32> to vector<16xf32>
            %add3A_700 = arith.addf %get3A_699, %scan3A_685 : vector<16xf32>
            %swap3A = tpu.memref_slice %run_scoped3A_14[%mul3A_496] : memref<2048xf32, #tpu.memory_space<vmem>> -> memref<1024xf32, #tpu.memory_space<vmem>>
            %swap3A_701 = arith.index_cast %add3A_679 : i32 to index
            %swap3A_702 = tpu.vector_load %swap3A[%swap3A_701] {strides = array<i32>} : memref<1024xf32, #tpu.memory_space<vmem>>, vector<16xf32>,
            %swap3A_703 = vector.shape_cast %swap3A_702 : vector<16xf32> to vector<16xf32>
            %swap3A_704 = vector.shape_cast %add3A_700 : vector<16xf32> to vector<16xf32>
            tpu.vector_store %swap3A[%swap3A_701], %swap3A_704 {strides = array<i32>} : memref<1024xf32, #tpu.memory_space<vmem>>, vector<16xf32>,
          } else {
          }
        }
        %scan3A_501 = arith.constant 64 : i32
        "tpu.trace_stop"() : () -> ()
        %ne3A_502 = arith.cmpi ne, %add3A_314, %add3A_350 : i32
        %ne3A_503 = arith.cmpi ne, %add3A_312, %add3A_348 : i32
        %or3A_504 = arith.constant false
        %or3A_505 = arith.ori %or3A_504, %ne3A_502 : i1
        %or3A_506 = arith.ori %or3A_505, %ne3A_503 : i1
        %or3A_507 = arith.ori %or3A_506, %eq3A_311 : i1
        %convert_element_type3A_508 = arith.extui %or3A_507 : i1 to i32
        %cond3A_509 = arith.constant 0 : i32
        %cond3A_510 = arith.cmpi ne, %convert_element_type3A_508, %cond3A_509 : i32
        scf.if %cond3A_510 {
        } else {
        }
        %and3A_511 = arith.constant false
        %and3A_512 = arith.andi %or3A_507, %and3A_511 : i1
        %ne3A_513 = arith.cmpi ne, %add3A_314, %add3A_350 : i32
        %ne3A_514 = arith.cmpi ne, %add3A_312, %add3A_348 : i32
        %or3A_515 = arith.constant false
        %or3A_516 = arith.ori %or3A_515, %ne3A_513 : i1
        %or3A_517 = arith.ori %or3A_516, %ne3A_514 : i1
        %or3A_518 = arith.ori %or3A_517, %eq3A_311 : i1
        %convert_element_type3A_519 = arith.extui %or3A_518 : i1 to i32
        %cond3A_520 = arith.constant 0 : i32
        %cond3A_521 = arith.cmpi ne, %convert_element_type3A_519, %cond3A_520 : i32
        scf.if %cond3A_521 {
        } else {
        }
        %and3A_522 = arith.constant false
        %and3A_523 = arith.andi %or3A_518, %and3A_522 : i1
        %ne3A_524 = arith.cmpi ne, %add3A_314, %add3A_350 : i32
        %ne3A_525 = arith.cmpi ne, %add3A_312, %add3A_348 : i32
        %or3A_526 = arith.constant false
        %or3A_527 = arith.ori %or3A_526, %ne3A_524 : i1
        %or3A_528 = arith.ori %or3A_527, %ne3A_525 : i1
        %or3A_529 = arith.ori %or3A_528, %eq3A_311 : i1
        %convert_element_type3A_530 = arith.extui %or3A_529 : i1 to i32
        %cond3A_531 = arith.constant 0 : i32
        %cond3A_532 = arith.cmpi ne, %convert_element_type3A_530, %cond3A_531 : i32
        scf.if %cond3A_532 {
        } else {
        }
        %and3A_533 = arith.constant false
        %and3A_534 = arith.andi %or3A_529, %and3A_533 : i1
        %ne3A_535 = arith.cmpi ne, %add3A_314, %add3A_350 : i32
        %ne3A_536 = arith.cmpi ne, %add3A_312, %add3A_348 : i32
        %or3A_537 = arith.constant false
        %or3A_538 = arith.ori %or3A_537, %ne3A_535 : i1
        %or3A_539 = arith.ori %or3A_538, %ne3A_536 : i1
        %or3A_540 = arith.ori %or3A_539, %eq3A_311 : i1
        %convert_element_type3A_541 = arith.extui %or3A_540 : i1 to i32
        %cond3A_542 = arith.constant 0 : i32
        %cond3A_543 = arith.cmpi ne, %convert_element_type3A_541, %cond3A_542 : i32
        scf.if %cond3A_543 {
        } else {
        }
        %and3A_544 = arith.constant false
        %and3A_545 = arith.andi %or3A_540, %and3A_544 : i1
        %ne3A_546 = arith.cmpi ne, %add3A_312, %add3A_348 : i32
        %or3A_547 = arith.constant false
        %or3A_548 = arith.ori %or3A_547, %ne3A_546 : i1
        %or3A_549 = arith.ori %or3A_548, %eq3A_311 : i1
        %convert_element_type3A_550 = arith.extui %or3A_549 : i1 to i32
        %cond3A_551 = arith.constant 0 : i32
        %cond3A_552 = arith.cmpi ne, %convert_element_type3A_550, %cond3A_551 : i32
        scf.if %cond3A_552 {
          "tpu.trace_start"() <{level = 10 : i32, message = "ep_copy_out"}> : () -> ()
          %rem3A_675 = arith.constant 2 : i32
          %rem3A_676 = arith.remui %scan3A_304, %rem3A_675 : i32
          %mul3A_677 = arith.constant 1024 : i32
          %mul3A_678 = arith.muli %mul3A_677, %add3A_312 : i32
          %mul3A_679 = arith.constant 1024 : i32
          %mul3A_680 = arith.muli %rem3A_676, %mul3A_679 : i32
          %add3A_681 = arith.constant 0 : i32
          %add3A_682 = arith.addi %mul3A_680, %add3A_681 : i32
          %dma_start3A_683 = tpu.memref_slice %run_scoped3A_14[%add3A_682] : memref<2048xf32, #tpu.memory_space<vmem>> -> memref<1024xf32, #tpu.memory_space<vmem>>
          %dma_start3A_684 = tpu.memref_slice %arg6[%mul3A_678] : memref<131072xf32, #tpu.memory_space<hbm>> -> memref<1024xf32, #tpu.memory_space<hbm>>
          %dma_start3A_685 = tpu.memref_slice %run_scoped3A_15[%rem3A_676] : memref<2x!tpu.dma_semaphore, #tpu.memory_space<semaphore_mem>> -> memref<1x!tpu.dma_semaphore, #tpu.memory_space<semaphore_mem>>
          %dma_start3A_686 = tpu.memref_squeeze %dma_start3A_685 : memref<1x!tpu.dma_semaphore, #tpu.memory_space<semaphore_mem>> -> memref<!tpu.dma_semaphore, #tpu.memory_space<semaphore_mem>>
          %dma_start3A_687 = tpu.memref_slice %arg6[%mul3A_678] : memref<131072xf32, #tpu.memory_space<hbm>> -> memref<1024xf32, #tpu.memory_space<hbm>>
          %dma_start3A_688 = tpu.memref_slice %run_scoped3A_14[%add3A_682] : memref<2048xf32, #tpu.memory_space<vmem>> -> memref<1024xf32, #tpu.memory_space<vmem>>
          tpu.enqueue_dma source(%dma_start3A_688 : memref<1024xf32, #tpu.memory_space<vmem>>) target(%dma_start3A_687 : memref<1024xf32, #tpu.memory_space<hbm>>) target_semaphore(%dma_start3A_686 : memref<!tpu.dma_semaphore, #tpu.memory_space<semaphore_mem>>)
          "tpu.trace_stop"() : () -> ()
        } else {
        }
        %and3A_553 = arith.constant true
        %and3A_554 = arith.andi %or3A_549, %and3A_553 : i1
        %add3A_555 = arith.constant 1 : i32
        %add3A_556 = arith.addi %scan3A_304, %add3A_555 : i32
        %select_n3A_557 = arith.select %and3A_554, %add3A_556, %scan3A_304 : i32
        %ne3A_558 = arith.cmpi ne, %add3A_314, %add3A_332 : i32
        %ne3A_559 = arith.cmpi ne, %add3A_312, %add3A_330 : i32
        %or3A_560 = arith.constant false
        %or3A_561 = arith.ori %or3A_560, %ne3A_558 : i1
        %or3A_562 = arith.ori %or3A_561, %ne3A_559 : i1
        %not3A_563 = arith.constant true
        %not3A_564 = arith.xori %eq3A_309, %not3A_563 : i1
        %and3A_565 = arith.andi %or3A_562, %not3A_564 : i1
        %convert_element_type3A_566 = arith.extui %and3A_565 : i1 to i32
        %cond3A_567 = arith.constant 0 : i32
        %cond3A_568 = arith.cmpi ne, %convert_element_type3A_566, %cond3A_567 : i32
        scf.if %cond3A_568 {
        } else {
        }
        %and3A_569 = arith.constant false
        %and3A_570 = arith.andi %and3A_565, %and3A_569 : i1
        %ne3A_571 = arith.cmpi ne, %add3A_314, %add3A_332 : i32
        %ne3A_572 = arith.cmpi ne, %add3A_312, %add3A_330 : i32
        %or3A_573 = arith.constant false
        %or3A_574 = arith.ori %or3A_573, %ne3A_571 : i1
        %or3A_575 = arith.ori %or3A_574, %ne3A_572 : i1
        %not3A_576 = arith.constant true
        %not3A_577 = arith.xori %eq3A_309, %not3A_576 : i1
        %and3A_578 = arith.andi %or3A_575, %not3A_577 : i1
        %convert_element_type3A_579 = arith.extui %and3A_578 : i1 to i32
        %cond3A_580 = arith.constant 0 : i32
        %cond3A_581 = arith.cmpi ne, %convert_element_type3A_579, %cond3A_580 : i32
        scf.if %cond3A_581 {
        } else {
        }
        %and3A_582 = arith.constant false
        %and3A_583 = arith.andi %and3A_578, %and3A_582 : i1
        %ne3A_584 = arith.cmpi ne, %add3A_314, %add3A_332 : i32
        %ne3A_585 = arith.cmpi ne, %add3A_312, %add3A_330 : i32
        %or3A_586 = arith.constant false
        %or3A_587 = arith.ori %or3A_586, %ne3A_584 : i1
        %or3A_588 = arith.ori %or3A_587, %ne3A_585 : i1
        %not3A_589 = arith.constant true
        %not3A_590 = arith.xori %eq3A_309, %not3A_589 : i1
        %and3A_591 = arith.andi %or3A_588, %not3A_590 : i1
        %convert_element_type3A_592 = arith.extui %and3A_591 : i1 to i32
        %cond3A_593 = arith.constant 0 : i32
        %cond3A_594 = arith.cmpi ne, %convert_element_type3A_592, %cond3A_593 : i32
        scf.if %cond3A_594 {
        } else {
        }
        %and3A_595 = arith.constant false
        %and3A_596 = arith.andi %and3A_591, %and3A_595 : i1
        %ne3A_597 = arith.cmpi ne, %add3A_314, %add3A_332 : i32
        %ne3A_598 = arith.cmpi ne, %add3A_312, %add3A_330 : i32
        %or3A_599 = arith.constant false
        %or3A_600 = arith.ori %or3A_599, %ne3A_597 : i1
        %or3A_601 = arith.ori %or3A_600, %ne3A_598 : i1
        %not3A_602 = arith.constant true
        %not3A_603 = arith.xori %eq3A_309, %not3A_602 : i1
        %and3A_604 = arith.andi %or3A_601, %not3A_603 : i1
        %convert_element_type3A_605 = arith.extui %and3A_604 : i1 to i32
        %cond3A_606 = arith.constant 0 : i32
        %cond3A_607 = arith.cmpi ne, %convert_element_type3A_605, %cond3A_606 : i32
        scf.if %cond3A_607 {
        } else {
        }
        %and3A_608 = arith.constant false
        %and3A_609 = arith.andi %and3A_604, %and3A_608 : i1
        %ne3A_610 = arith.cmpi ne, %add3A_312, %add3A_330 : i32
        %or3A_611 = arith.constant false
        %or3A_612 = arith.ori %or3A_611, %ne3A_610 : i1
        %not3A_613 = arith.constant true
        %not3A_614 = arith.xori %eq3A_309, %not3A_613 : i1
        %and3A_615 = arith.andi %or3A_612, %not3A_614 : i1
        %convert_element_type3A_616 = arith.extui %and3A_615 : i1 to i32
        %cond3A_617 = arith.constant 0 : i32
        %cond3A_618 = arith.cmpi ne, %convert_element_type3A_616, %cond3A_617 : i32
        scf.if %cond3A_618 {
          "tpu.trace_start"() <{level = 10 : i32, message = "ep_wait_out"}> : () -> ()
          %rem3A_675 = arith.constant 2 : i32
          %rem3A_676 = arith.remui %scan3A_305, %rem3A_675 : i32
          %mul3A_677 = arith.constant 1024 : i32
          %mul3A_678 = arith.muli %mul3A_677, %add3A_330 : i32
          %mul3A_679 = arith.constant 1024 : i32
          %mul3A_680 = arith.muli %rem3A_676, %mul3A_679 : i32
          %add3A_681 = arith.constant 0 : i32
          %add3A_682 = arith.addi %mul3A_680, %add3A_681 : i32
          %dma_wait3A_683 = tpu.memref_slice %run_scoped3A_14[%add3A_682] : memref<2048xf32, #tpu.memory_space<vmem>> -> memref<1024xf32, #tpu.memory_space<vmem>>
          %dma_wait3A_684 = tpu.memref_slice %arg6[%mul3A_678] : memref<131072xf32, #tpu.memory_space<hbm>> -> memref<1024xf32, #tpu.memory_space<hbm>>
          %dma_wait3A_685 = tpu.memref_slice %run_scoped3A_15[%rem3A_676] : memref<2x!tpu.dma_semaphore, #tpu.memory_space<semaphore_mem>> -> memref<1x!tpu.dma_semaphore, #tpu.memory_space<semaphore_mem>>
          %dma_wait3A_686 = tpu.memref_squeeze %dma_wait3A_685 : memref<1x!tpu.dma_semaphore, #tpu.memory_space<semaphore_mem>> -> memref<!tpu.dma_semaphore, #tpu.memory_space<semaphore_mem>>
          %dma_wait3A_687 = tpu.memref_slice %arg6[%mul3A_678] : memref<131072xf32, #tpu.memory_space<hbm>> -> memref<1024xf32, #tpu.memory_space<hbm>>
          %dma_wait3A_688 = tpu.memref_slice %run_scoped3A_14[%add3A_682] : memref<2048xf32, #tpu.memory_space<vmem>> -> memref<1024xf32, #tpu.memory_space<vmem>>
          tpu.wait_dma2 semaphore(%dma_wait3A_686 : memref<!tpu.dma_semaphore, #tpu.memory_space<semaphore_mem>>) src(%dma_wait3A_688 : memref<1024xf32, #tpu.memory_space<vmem>>) dst(%dma_wait3A_687 : memref<1024xf32, #tpu.memory_space<hbm>>)
          "tpu.trace_stop"() : () -> ()
        } else {
        }
        %and3A_619 = arith.constant true
        %and3A_620 = arith.andi %and3A_615, %and3A_619 : i1
        %add3A_621 = arith.constant 1 : i32
        %add3A_622 = arith.addi %scan3A_305, %add3A_621 : i32
        %select_n3A_623 = arith.select %and3A_620, %add3A_622, %scan3A_305 : i32
        %ne3A_624 = arith.cmpi ne, %add3A_314, %add3A_350 : i32
        %ne3A_625 = arith.cmpi ne, %add3A_312, %add3A_348 : i32
        %or3A_626 = arith.constant false
        %or3A_627 = arith.ori %or3A_626, %ne3A_624 : i1
        %or3A_628 = arith.ori %or3A_627, %ne3A_625 : i1
        %or3A_629 = arith.ori %or3A_628, %eq3A_311 : i1
        %add3A_630 = arith.constant 1 : i32
        %add3A_631 = arith.addi %scan3A_297, %add3A_630 : i32
        %select_n3A_632 = arith.select %or3A_629, %add3A_631, %scan3A_297 : i32
        %ne3A_633 = arith.cmpi ne, %add3A_314, %add3A_350 : i32
        %ne3A_634 = arith.cmpi ne, %add3A_312, %add3A_348 : i32
        %or3A_635 = arith.constant false
        %or3A_636 = arith.ori %or3A_635, %ne3A_633 : i1
        %or3A_637 = arith.ori %or3A_636, %ne3A_634 : i1
        %or3A_638 = arith.ori %or3A_637, %eq3A_311 : i1
        %add3A_639 = arith.constant 1 : i32
        %add3A_640 = arith.addi %scan3A_299, %add3A_639 : i32
        %select_n3A_641 = arith.select %or3A_638, %add3A_640, %scan3A_299 : i32
        %ne3A_642 = arith.cmpi ne, %add3A_314, %add3A_350 : i32
        %ne3A_643 = arith.cmpi ne, %add3A_312, %add3A_348 : i32
        %or3A_644 = arith.constant false
        %or3A_645 = arith.ori %or3A_644, %ne3A_642 : i1
        %or3A_646 = arith.ori %or3A_645, %ne3A_643 : i1
        %or3A_647 = arith.ori %or3A_646, %eq3A_311 : i1
        %add3A_648 = arith.constant 1 : i32
        %add3A_649 = arith.addi %scan3A_301, %add3A_648 : i32
        %select_n3A_650 = arith.select %or3A_647, %add3A_649, %scan3A_301 : i32
        %ne3A_651 = arith.cmpi ne, %add3A_314, %add3A_350 : i32
        %ne3A_652 = arith.cmpi ne, %add3A_312, %add3A_348 : i32
        %or3A_653 = arith.constant false
        %or3A_654 = arith.ori %or3A_653, %ne3A_651 : i1
        %or3A_655 = arith.ori %or3A_654, %ne3A_652 : i1
        %or3A_656 = arith.ori %or3A_655, %eq3A_311 : i1
        %add3A_657 = arith.constant 1 : i32
        %add3A_658 = arith.addi %scan3A_303, %add3A_657 : i32
        %select_n3A_659 = arith.select %or3A_656, %add3A_658, %scan3A_303 : i32
        %add3A_660 = arith.constant 1 : i32
        %add3A_661 = arith.addi %scan3A_307, %add3A_660 : i32
        %select_n3A_662 = arith.constant true
        %select_n3A_663 = arith.select %select_n3A_662, %add3A_661, %scan3A_307 : i32
        %eq3A_664 = arith.constant 8 : i32
        %eq3A_665 = arith.cmpi eq, %select_n3A_663, %eq3A_664 : i32
        %select_n3A_666 = arith.constant 0 : i32
        %select_n3A_667 = arith.select %eq3A_665, %select_n3A_666, %select_n3A_663 : i32
        %add3A_668 = arith.constant 1 : i32
        %add3A_669 = arith.addi %scan3A_306, %add3A_668 : i32
        %select_n3A_670 = arith.select %eq3A_665, %add3A_669, %scan3A_306 : i32
        %eq3A_671 = arith.constant 4 : i32
        %eq3A_672 = arith.cmpi eq, %select_n3A_670, %eq3A_671 : i32
        %select_n3A_673 = arith.constant 0 : i32
        %select_n3A_674 = arith.select %eq3A_672, %select_n3A_673, %select_n3A_670 : i32
        scf.yield %select_n3A_379, %select_n3A_632, %select_n3A_397, %select_n3A_641, %select_n3A_415, %select_n3A_650, %select_n3A_433, %select_n3A_659, %select_n3A_557, %select_n3A_623, %select_n3A_674, %select_n3A_667 : i32, i32, i32, i32, i32, i32, i32, i32, i32, i32, i32, i32
      }
      %scan3A_210 = arith.constant 32 : i32
      %sub3A = arith.constant 1 : i32
      %sub3A_211 = arith.subi %scan3A_209#11, %sub3A : i32
      %select_n3A_212 = arith.constant true
      %select_n3A_213 = arith.select %select_n3A_212, %sub3A_211, %scan3A_209#11 : i32
      %eq3A_214 = arith.constant -1 : i32
      %eq3A_215 = arith.cmpi eq, %select_n3A_213, %eq3A_214 : i32
      %select_n3A_216 = arith.constant 7 : i32
      %select_n3A_217 = arith.select %eq3A_215, %select_n3A_216, %select_n3A_213 : i32
      %sub3A_218 = arith.constant 1 : i32
      %sub3A_219 = arith.subi %scan3A_209#10, %sub3A_218 : i32
      %select_n3A_220 = arith.select %eq3A_215, %sub3A_219, %scan3A_209#10 : i32
      %eq3A_221 = arith.constant -1 : i32
      %eq3A_222 = arith.cmpi eq, %select_n3A_220, %eq3A_221 : i32
      %select_n3A_223 = arith.constant 3 : i32
      %select_n3A_224 = arith.select %eq3A_222, %select_n3A_223, %select_n3A_220 : i32
      %add3A_225 = arith.addi %select_n3A_224, %mul3A_6 : i32
      %add3A_226 = arith.constant 0 : i32
      %add3A_227 = arith.addi %select_n3A_217, %add3A_226 : i32
      %sub3A_228 = arith.constant 1 : i32
      %sub3A_229 = arith.subi %select_n3A_217, %sub3A_228 : i32
      %select_n3A_230 = arith.constant true
      %select_n3A_231 = arith.select %select_n3A_230, %sub3A_229, %select_n3A_217 : i32
      %eq3A_232 = arith.constant -1 : i32
      %eq3A_233 = arith.cmpi eq, %select_n3A_231, %eq3A_232 : i32
      %select_n3A_234 = arith.constant 7 : i32
      %select_n3A_235 = arith.select %eq3A_233, %select_n3A_234, %select_n3A_231 : i32
      %sub3A_236 = arith.constant 1 : i32
      %sub3A_237 = arith.subi %select_n3A_224, %sub3A_236 : i32
      %select_n3A_238 = arith.select %eq3A_233, %sub3A_237, %select_n3A_224 : i32
      %eq3A_239 = arith.constant -1 : i32
      %eq3A_240 = arith.cmpi eq, %select_n3A_238, %eq3A_239 : i32
      %select_n3A_241 = arith.constant 3 : i32
      %select_n3A_242 = arith.select %eq3A_240, %select_n3A_241, %select_n3A_238 : i32
      %add3A_243 = arith.addi %select_n3A_242, %mul3A_6 : i32
      %add3A_244 = arith.constant 0 : i32
      %add3A_245 = arith.addi %select_n3A_235, %add3A_244 : i32
      %add3A_246 = arith.constant 1 : i32
      %add3A_247 = arith.addi %select_n3A_217, %add3A_246 : i32
      %select_n3A_248 = arith.constant true
      %select_n3A_249 = arith.select %select_n3A_248, %add3A_247, %select_n3A_217 : i32
      %eq3A_250 = arith.constant 8 : i32
      %eq3A_251 = arith.cmpi eq, %select_n3A_249, %eq3A_250 : i32
      %select_n3A_252 = arith.constant 0 : i32
      %select_n3A_253 = arith.select %eq3A_251, %select_n3A_252, %select_n3A_249 : i32
      %add3A_254 = arith.constant 1 : i32
      %add3A_255 = arith.addi %select_n3A_224, %add3A_254 : i32
      %select_n3A_256 = arith.select %eq3A_251, %add3A_255, %select_n3A_224 : i32
      %eq3A_257 = arith.constant 4 : i32
      %eq3A_258 = arith.cmpi eq, %select_n3A_256, %eq3A_257 : i32
      %select_n3A_259 = arith.constant 0 : i32
      %select_n3A_260 = arith.select %eq3A_258, %select_n3A_259, %select_n3A_256 : i32
      %add3A_261 = arith.addi %select_n3A_260, %mul3A_6 : i32
      %add3A_262 = arith.constant 0 : i32
      %add3A_263 = arith.addi %select_n3A_253, %add3A_262 : i32
      %add3A_264 = arith.constant 1 : i32
      %add3A_265 = arith.addi %select_n3A_253, %add3A_264 : i32
      %select_n3A_266 = arith.constant true
      %select_n3A_267 = arith.select %select_n3A_266, %add3A_265, %select_n3A_253 : i32
      %eq3A_268 = arith.constant 8 : i32
      %eq3A_269 = arith.cmpi eq, %select_n3A_267, %eq3A_268 : i32
      %select_n3A_270 = arith.constant 0 : i32
      %select_n3A_271 = arith.select %eq3A_269, %select_n3A_270, %select_n3A_267 : i32
      %add3A_272 = arith.constant 1 : i32
      %add3A_273 = arith.addi %select_n3A_260, %add3A_272 : i32
      %select_n3A_274 = arith.select %eq3A_269, %add3A_273, %select_n3A_260 : i32
      %eq3A_275 = arith.constant 4 : i32
      %eq3A_276 = arith.cmpi eq, %select_n3A_274, %eq3A_275 : i32
      %select_n3A_277 = arith.constant 0 : i32
      %select_n3A_278 = arith.select %eq3A_276, %select_n3A_277, %select_n3A_274 : i32
      %add3A_279 = arith.addi %select_n3A_278, %mul3A_6 : i32
      %add3A_280 = arith.constant 0 : i32
      %add3A_281 = arith.addi %select_n3A_271, %add3A_280 : i32
      "tpu.trace_start"() <{level = 10 : i32, message = "ep_finalize"}> : () -> ()
      %rem3A_282 = arith.constant 2 : i32
      %rem3A_283 = arith.remui %scan3A_209#9, %rem3A_282 : i32
      %mul3A_284 = arith.constant 1024 : i32
      %mul3A_285 = arith.muli %mul3A_284, %add3A_225 : i32
      %mul3A_286 = arith.constant 1024 : i32
      %mul3A_287 = arith.muli %rem3A_283, %mul3A_286 : i32
      %add3A_288 = arith.constant 0 : i32
      %add3A_289 = arith.addi %mul3A_287, %add3A_288 : i32
      %dma_wait3A = tpu.memref_slice %run_scoped3A_14[%add3A_289] : memref<2048xf32, #tpu.memory_space<vmem>> -> memref<1024xf32, #tpu.memory_space<vmem>>
      %dma_wait3A_290 = tpu.memref_slice %arg6[%mul3A_285] : memref<131072xf32, #tpu.memory_space<hbm>> -> memref<1024xf32, #tpu.memory_space<hbm>>
      %dma_wait3A_291 = tpu.memref_slice %run_scoped3A_15[%rem3A_283] : memref<2x!tpu.dma_semaphore, #tpu.memory_space<semaphore_mem>> -> memref<1x!tpu.dma_semaphore, #tpu.memory_space<semaphore_mem>>
      %dma_wait3A_292 = tpu.memref_squeeze %dma_wait3A_291 : memref<1x!tpu.dma_semaphore, #tpu.memory_space<semaphore_mem>> -> memref<!tpu.dma_semaphore, #tpu.memory_space<semaphore_mem>>
      %dma_wait3A_293 = tpu.memref_slice %arg6[%mul3A_285] : memref<131072xf32, #tpu.memory_space<hbm>> -> memref<1024xf32, #tpu.memory_space<hbm>>
      %dma_wait3A_294 = tpu.memref_slice %run_scoped3A_14[%add3A_289] : memref<2048xf32, #tpu.memory_space<vmem>> -> memref<1024xf32, #tpu.memory_space<vmem>>
      tpu.wait_dma2 semaphore(%dma_wait3A_292 : memref<!tpu.dma_semaphore, #tpu.memory_space<semaphore_mem>>) src(%dma_wait3A_294 : memref<1024xf32, #tpu.memory_space<vmem>>) dst(%dma_wait3A_293 : memref<1024xf32, #tpu.memory_space<hbm>>)
      "tpu.trace_stop"() : () -> ()
      tpu.yield
    }) : () -> ()
    return
  }
}

module attributes {stable_mosaic.version = 14 : i64} {
  func.func @_tc_body(%arg0: i32, %arg1: memref<64x8192xf32, #tpu.memory_space<vmem>>, %arg2: memref<64x8192xf32, #tpu.memory_space<vmem>>, %arg3: memref<64x8192xf32, #tpu.memory_space<vmem>>, %arg4: memref<64x8192xf32, #tpu.memory_space<vmem>>, %arg5: memref<8192xf32, #tpu.memory_space<vmem>>) attributes {dimension_semantics = [#tpu.dimension_semantics<arbitrary>], iteration_bounds = array<i64: 82>, scalar_prefetch = 0 : i64, scratch_operands = 0 : i64, tpu.core_type = #tpu.core_type<tc>, window_params = [{transform_indices = @transform_0, window_bounds = array<i64: 64, 8192>}, {transform_indices = @transform_1, window_bounds = array<i64: 64, 8192>}, {transform_indices = @transform_2, window_bounds = array<i64: 64, 8192>}, {transform_indices = @transform_3, window_bounds = array<i64: 64, 8192>}, {transform_indices = @transform_4, window_bounds = array<i64: 8192>}]} {
    %get3A = arith.constant 0 : index
    %get3A_0 = arith.constant 0 : index
    %get3A_1 = vector.load %arg1[%get3A, %get3A_0] : memref<64x8192xf32, #tpu.memory_space<vmem>>, vector<64x8192xf32>
    %get3A_2 = arith.constant 0 : index
    %get3A_3 = arith.constant 0 : index
    %get3A_4 = vector.load %arg2[%get3A_2, %get3A_3] : memref<64x8192xf32, #tpu.memory_space<vmem>>, vector<64x8192xf32>
    %mul3A = arith.mulf %get3A_1, %get3A_4 : vector<64x8192xf32>
    %get3A_5 = arith.constant 0 : index
    %get3A_6 = arith.constant 0 : index
    %get3A_7 = vector.load %arg3[%get3A_5, %get3A_6] : memref<64x8192xf32, #tpu.memory_space<vmem>>, vector<64x8192xf32>
    %get3A_8 = arith.constant 0 : index
    %get3A_9 = arith.constant 0 : index
    %get3A_10 = vector.load %arg4[%get3A_8, %get3A_9] : memref<64x8192xf32, #tpu.memory_space<vmem>>, vector<64x8192xf32>
    %mul3A_11 = arith.mulf %get3A_7, %get3A_10 : vector<64x8192xf32>
    %add3A = arith.addf %mul3A, %mul3A_11 : vector<64x8192xf32>
    %reduce_sum3A = arith.constant dense<0.000000e+00> : vector<8192xf32>
    %reduce_sum3A_12 = vector.multi_reduction <add>, %add3A, %reduce_sum3A [0] : vector<64x8192xf32> to vector<8192xf32>
    %swap3A = arith.constant 0 : index
    %swap3A_13 = vector.load %arg5[%swap3A] : memref<8192xf32, #tpu.memory_space<vmem>>, vector<8192xf32>
    tpu.vector_store %arg5[%swap3A], %reduce_sum3A_12 {strides = array<i32>} : memref<8192xf32, #tpu.memory_space<vmem>>, vector<8192xf32>,
    return
  }
  func.func @transform_0(%arg0: i32) -> (i32, i32) {
    %add3A = arith.constant 16 : i32
    %add3A_0 = arith.addi %arg0, %add3A : i32
    %c0_i32 = arith.constant 0 : i32
    %c0_i32_1 = arith.constant 0 : i32
    return %c0_i32, %add3A_0 : i32, i32
  }
  func.func @transform_1(%arg0: i32) -> (i32, i32) {
    %add3A = arith.constant 16 : i32
    %add3A_0 = arith.addi %arg0, %add3A : i32
    %c0_i32 = arith.constant 0 : i32
    %c0_i32_1 = arith.constant 0 : i32
    return %c0_i32, %add3A_0 : i32, i32
  }
  func.func @transform_2(%arg0: i32) -> (i32, i32) {
    %add3A = arith.constant 16 : i32
    %add3A_0 = arith.addi %arg0, %add3A : i32
    %c0_i32 = arith.constant 0 : i32
    %c0_i32_1 = arith.constant 0 : i32
    return %c0_i32, %add3A_0 : i32, i32
  }
  func.func @transform_3(%arg0: i32) -> (i32, i32) {
    %add3A = arith.constant 16 : i32
    %add3A_0 = arith.addi %arg0, %add3A : i32
    %c0_i32 = arith.constant 0 : i32
    %c0_i32_1 = arith.constant 0 : i32
    return %c0_i32, %add3A_0 : i32, i32
  }
  func.func @transform_4(%arg0: i32) -> i32 {
    %c0_i32 = arith.constant 0 : i32
    return %arg0 : i32
  }
}

</mosaic_0001>

<sc_bundles>
// kernel: kernel.4.cloned.1.call-start
scs
__scs_entry_jumppad:
0x0: {  	(pc) =	sbr.rel $0x88, $3  }
0x1: {  	(tag) =	ssettag $0x0;
	lr =	simm.s32 $0x1  }
0x2: {  	[smem:$0x3F9D] =	sst lr;
	_ =	strace $0xD0000000  }
0x3: {  	_ = 	snop  }
0x4: {  	_ = 	snop  }
0x5: {  	_ = 	snop  }
0x6: {  	_ = 	snop  }
0x7: {  	_ = 	snop  }
__scs_overlays_trampoline_lowered:
0x8: {  	[smem:$0x3FAC] =	sst s0  }
0x9: {  	[smem:$0x3FAD] =	sst s1  }
0xa: {  	[smem:$0x3FAE] =	sst s2  }
0xb: {  	[smem:$0x3FAF] =	sst s3  }
0xc: {  	[smem:$0x3FB0] =	sst s4  }
0xd: {  	[smem:$0x3FB1] =	sst s5  }
0xe: {  	[smem:$0x3FB2] =	sst s6  }
0xf: {  	[smem:$0x3FB3] =	sst s7  }
0x10: {  	[smem:$0x3FB4] =	sst s8  }
0x11: {  	[smem:$0x3FB5] =	sst s9;
	s0 =	simm.s32 @!p0 $0x0  }
0x12: {  	s1 =	sld [smem:$0x3F9B];
	s0 =	simm.s32 @p0 $0x1  }
0x13: {  	[smem:$0x3FB6] =	sst s0;
	s0 =	simm.s32 @!p1 $0x0  }
0x14: {  	s2 =	sld [smem:$0x3F9A];
	s0 =	simm.s32 @p1 $0x1  }
0x15: {  	[smem:$0x3FB7] =	sst s0;
	s0 =	simm.s32 @!p2 $0x0  }
0x16: {  	s3 =	sld [smem:$0x3FDB];
	s0 =	simm.s32 @p2 $0x1  }
0x17: {  	s4 =	simm.s32 $0x1BF5;
	[smem:$0x3FB9] =	sst s0  }
0x18: {  	s0 =	sld [smem:$0x3F9C];
	_ =	swait.ge [sflag:s4], $0x0  }
0x19: {  	s7 =	sld [smem:$0x3F9D]  }
0x1a: {  	s8 =	sadd.s32 $0xFFFFE003, lr  }
0x1b: {  	s9 =	sadd.s32 $0xFFFFFEF7, lr;
	s5 =	simm.s32 $0xFFFFFFFF;
	p2 =	slt.u32 s8, $0xFFFFF086  }
0x1c: {  	p1 =	slt.u32 s9, $0xF7A;
	s5 =	simm.s32 @!p2 $0x0  }
0x1d: {  	s5 =	simm.s32 @p1 $0x1;
	p0 =	seq.s32 s7, s2  }
0x1e: {  	s7 =	smul.u32 @!p0 $0xF7A, s2;
	p2 =	seq.s32 @!p0 s5, $0x0  }
0x1f: {  	s9 =	smul.u32 $0xF7A, s1;
	s8 =	simm.s32 @!p0 $0x1BF5;
	p2 =	por !p2, p0  }
0x20: {  	[sflag:s8] =	ssyncset.s32 @!p0 $0xFFFFF086;
	s6 =	sadd.s32 @!p0 s3, s7;
	s7 =	simm.s32 @!p0 $0x108  }
0x21: {  	s3 =	sadd.s32 s3, s9;
	s6 =	sadd.s32 @!p0 $0x88, s6;
	s7 =	simm.s32 @p2 $0x1082  }
0x22: {  	[simem:s7], [sflag:s8] =	dma.local @!p0 [hbm:s6], $0xF7A  }
0x23: {  	s9 =	sor.u32 $0xD0000000, s2;
	s6 =	simm.s32 $0x108;
	_ =	swait.ge @!p0 [sflag:s8], $0x0  }
0x24: {  	s3 =	sadd.s32 $0x88, s3;
	s6 =	simm.s32 @!p1 $0x1082;
	[sflag:s4] =	ssyncset.s32 $0xFFFFF086  }
0x25: {  	[simem:s6], [sflag:s4] =	dma.local [hbm:s3], $0xF7A  }
0x26: {  	[smem:$0x3F9D] =	sst s1;
	(tag) =	ssettag s2;
	_ =	strace s9  }
0x27: {  	s1 =	sld [smem:$0x3FAD]  }
0x28: {  	s2 =	sld [smem:$0x3FAE]  }
0x29: {  	s4 =	sld [smem:$0x3FB0]  }
0x2a: {  	p0 =	seq.s32 s5, $0x0;
	s5 =	sld [smem:$0x3FB1]  }
0x2b: {  	s6 =	sld [smem:$0x3FB2]  }
0x2c: {  	s7 =	sld [smem:$0x3FB3]  }
0x2d: {  	s3 =	simm.s32 $0x108;
	s8 =	sld [smem:$0x3FB4]  }
0x2e: {  	s3 =	simm.s32 @!p0 $0x1082;
	s9 =	sld [smem:$0x3FB5]  }
0x2f: {  	lr =	sadd.s32 s0, s3;
	s0 =	sld [smem:$0x3FAC]  }
0x30: {  	s3 =	sld [smem:$0x3FAF]  }
0x31: {  	[smem:$0x3FB8] =	sst s10  }
0x32: {  	s10 =	sld [smem:$0x3FB6];
	_ =	sdelay $0x3  }
0x33: {  	p0 =	seq.s32 s10, $0x1;
	s10 =	sld [smem:$0x3FB8];
	_ =	sdelay $0x3  }
0x34: {  	[smem:$0x3FB8] =	sst s10  }
0x35: {  	s10 =	sld [smem:$0x3FB7];
	_ =	sdelay $0x3  }
0x36: {  	p1 =	seq.s32 s10, $0x1;
	s10 =	sld [smem:$0x3FB8];
	_ =	sdelay $0x3  }
0x37: {  	[smem:$0x3FB8] =	sst s10  }
0x38: {  	s10 =	sld [smem:$0x3FB9]  }
0x39: {  	_ = 	snop;
	(pc) =	sbr.ind lr, $3  }
0x3a: {  	_ = 	snop  }
0x3b: {  	_ = 	snop  }
0x3c: {  	p2 =	seq.s32 s10, $0x1;
	s10 =	sld [smem:$0x3FB8]  }
0x3d: {  	_ =	shalt  }
0x3e: {  	_ =	shalt  }
0x3f: {  	_ =	shalt  }
0x40: {  	_ =	shalt  }
0x41: {  	_ =	shalt  }
0x42: {  	_ =	shalt  }
0x43: {  	_ =	shalt  }
0x44: {  	_ =	shalt  }
0x45: {  	_ =	shalt  }
0x46: {  	_ =	shalt  }
0x47: {  	_ =	shalt  }
0x48: {  	_ =	shalt  }
0x49: {  	_ =	shalt  }
0x4a: {  	_ =	shalt  }
0x4b: {  	_ =	shalt  }
0x4c: {  	_ =	shalt  }
0x4d: {  	_ =	shalt  }
0x4e: {  	_ =	shalt  }
0x4f: {  	_ =	shalt  }
0x50: {  	_ =	shalt  }
0x51: {  	_ =	shalt  }
0x52: {  	_ =	shalt  }
0x53: {  	_ =	shalt  }
0x54: {  	_ =	shalt  }
0x55: {  	_ =	shalt  }
0x56: {  	_ =	shalt  }
0x57: {  	_ =	shalt  }
0x58: {  	_ =	shalt  }
0x59: {  	_ =	shalt  }
0x5a: {  	_ =	shalt  }
0x5b: {  	_ =	shalt  }
0x5c: {  	_ =	shalt  }
0x5d: {  	_ =	shalt  }
0x5e: {  	_ =	shalt  }
0x5f: {  	_ =	shalt  }
0x60: {  	_ =	shalt  }
0x61: {  	_ =	shalt  }
0x62: {  	_ =	shalt  }
0x63: {  	_ =	shalt  }
0x64: {  	_ =	shalt  }
0x65: {  	_ =	shalt  }
0x66: {  	_ =	shalt  }
0x67: {  	_ =	shalt  }
0x68: {  	_ =	shalt  }
0x69: {  	_ =	shalt  }
0x6a: {  	_ =	shalt  }
0x6b: {  	_ =	shalt  }
0x6c: {  	_ =	shalt  }
0x6d: {  	_ =	shalt  }
0x6e: {  	_ =	shalt  }
0x6f: {  	_ =	shalt  }
0x70: {  	_ =	shalt  }
0x71: {  	_ =	shalt  }
0x72: {  	_ =	shalt  }
0x73: {  	_ =	shalt  }
0x74: {  	_ =	shalt  }
0x75: {  	_ =	shalt  }
0x76: {  	_ =	shalt  }
0x77: {  	_ =	shalt  }
0x78: {  	_ =	shalt  }
0x79: {  	_ =	shalt  }
0x7a: {  	_ =	shalt  }
0x7b: {  	_ =	shalt  }
0x7c: {  	_ =	shalt  }
0x7d: {  	_ =	shalt  }
0x7e: {  	_ =	shalt  }
0x7f: {  	_ =	shalt  }
0x80: {  	_ =	shalt  }
0x81: {  	_ =	shalt  }
0x82: {  	_ =	shalt  }
0x83: {  	_ =	shalt  }
0x84: {  	_ =	shalt  }
0x85: {  	_ =	shalt  }
0x86: {  	_ =	shalt  }
0x87: {  	_ =	shalt  }
.Lfunc_end0:
.L_simem_size_0:
called_computation_lowered:
.L_overlay_start_0:
0x88: {  	s2 =	sld [smem:$0x3FD9]  }
0x89: {  	s3 =	sld [smem:$0x3FFE];
	_ =	sdelay $0x1  }
0x8a: {  	s1 =	srdreg.scid  }
0x8b: {  	s0 =	sand.u32 $0x1, s1  }
0x8c: {  	s17 =	sshll.u32 s0, $0xA;
	s2 =	sadd.s32 s3, s2  }
0x8d: {  	s2 =	sadd.s32 s2, s17  }
0x8e: {  	[smem:$0x3FC4] =	sst s2  }
0x8f: {  	_ = 	snop  }
0x90: {  	s2 =	sld [smem:$0x3FC9]  }
0x91: {  	s18 =	sld [smem:$0x3FC8]  }
0x92: {  	s4 =	sld [smem:$0x3FC7]  }
0x93: {  	s5 =	sld [smem:$0x3FC6];
	(tm) =	ssettm $0x1  }
0x94: {  	s6 =	sld [smem:$0x3FFB];
	_ =	sdelay $0x3  }
0x95: {  	_ =	strace s6  }
0x96: {  	s6 =	sld [smem:$0x3FFC];
	_ =	sdelay $0x3  }
0x97: {  	_ =	strace s6  }
0x98: {  	s6 =	sld [smem:$0x3FFD];
	_ =	sdelay $0x3  }
0x99: {  	_ =	strace s6  }
0x9a: {  	_ =	strace $0x8FFFFFFF  }
0x9b: {  	s19 =	sld [smem:$0x3FDB];
	_ =	sdelay $0x1  }
0x9c: {  	s7 =	simm.s32 $_scs_section_size  }
0x9d: {  	s8 =	simm.s32 $_size__tile_overlayer_lowered;
	s9 =	simm.s32 $_tile_overlayer_lowered  }
0x9e: {  	s22 =	simm.s32 $0x1BFF;
	s21 =	sshll.u32 s9, $0x1;
	s6 =	sadd.s32 s7, s19  }
0x9f: {  	s10 =	simm.s32 $0x0;
	s20 =	sshll.u32 s8, $0x1;
	s8 =	sadd.s32 s21, s6  }
0xa0: {  	[timem:s10], [sflag:s22] =	dma.local [hbm:s8], s20  }
0xa1: {  	_ =	swait.ge [sflag:s22], s20  }
0xa2: {  	s7 =	ssub.s32 $0x0, s20;
	[sflag:s22] =	ssyncset.done $0x0  }
0xa3: {  	[sflag:s22] =	ssyncadd.s32 s7;
	_ =	sdelay $0x1  }
0xa4: {  	s23 =	simm.s32 $0x1B8B  }
0xa5: {  	_ =	swait.ge [sflag:s23], $0x1  }
0xa6: {  	[sflag:s23] =	ssyncset.done $0x0  }
0xa7: {  	s25 =	simm.s32 $0x1B8E;
	s24 =	sld [smem:$0x3FFE];
	[sflag:s23] =	ssyncadd.s32 $0xFFFFFFFF  }
0xa8: {  	s26 =	simm.s32 $execute0_lowered;
	[smem:$0x3FD2] =	sst s25  }
0xa9: {  	s8 =	sshll.u32 s26, $0x1;
	_ =	strace $0x80000046;
	[dreg:$0x1] =	wrdreg $0xFFFFFFFF  }
0xaa: {  	s28 =	simm.s32 $_size_execute0_lowered;
	s6 =	sadd.s32 s6, s8;
	[dreg:$0x0] =	wrdreg $0x0  }
0xab: {  	s8 =	sshll.u32 s28, $0x1;
	[dreg:$0x2] =	wrdreg s6  }
0xac: {  	[dreg:$0x3] =	wrdreg s8  }
0xad: {  	[dreg:$0x4] =	wrdreg $0xC0  }
0xae: {  	_ =	task [dreg:s10], $0x5FFFF  }
0xaf: {  	[dreg:$0x1] =	wrdreg $0xFFFFFFFF  }
0xb0: {  	[dreg:$0x0] =	wrdreg $0x60  }
0xb1: {  	[dreg:$0x2] =	wrdreg s2  }
0xb2: {  	[dreg:$0x3] =	wrdreg s18  }
0xb3: {  	[dreg:$0x4] =	wrdreg s4  }
0xb4: {  	[dreg:$0x5] =	wrdreg s5  }
0xb5: {  	[dreg:$0x6] =	wrdreg s24  }
0xb6: {  	[dreg:$0x7] =	wrdreg $0x9  }
0xb7: {  	_ =	task.clear_ibuf [dreg:s10], $0x8FFFF;
	_ =	strace $0x90000046  }
0xb8: {  	s29 =	simm.s32 $0x9;
	_ =	strace $0x80000055  }
0xb9: {  	_ =	swait.ge [sflag:s29], $0x1  }
0xba: {  	[sflag:s29] =	ssyncadd.s32 $0xFFFFFFFF  }
0xbb: {  	_ =	strace $0x90000055  }
0xbc: {  	_ =	sfence  }
0xbd: {  	s30 =	sld [smem:$0x0];
	_ =	sdelay $0x2  }
0xbe: {  	s31 =	sshll.u32 s1, $0xD;
	s1 =	sshrl.u32 s1, $0x2  }
0xbf: {  	s3 =	sand.u32 $0x4000, s31;
	s1 =	sadd.s32 s1, s30  }
0xc0: {  	s0 =	sor.u32 s3, s0;
	s1 =	sshll.u32 s1, $0x11  }
0xc1: {  	s0 =	sor.u32 s1, s0  }
0xc2: {  	s0 =	sadd.s32 $0x8F2B, s0  }
0xc3: {  	[sflag:s0] =	ssyncadd.remote.s32 $0x1  }
0xc4: {  	_ =	sfence.sel $0xFFFF  }
0xc5: {  	[dreg:$0x0] =	wrdreg $0xFFFFFFFF;
	(pc) =	sbr.abs _section_cstart, $3  }
0xc6: {  	[dreg:$0x1] =	wrdreg $0xFFFFFFFF  }
0xc7: {  	_ =	task.clear_ibuf [dreg:s10], $0x2FFFF;
	_ =	strace $0x9FFFFFFF  }
0xc8: {  	(tm) =	ssettm $0x7FFFFFFF  }
0xc9: {  	_ =	shalt  }
tec
execute0_lowered:
.L_overlay_start_1:
0x0: {  	(tag) =	ssettag $0x1  }
0x1: {  	s1 =	rddreg [dreg:$0x0]  }
0x2: {  	s2 =	rddreg [dreg:$0x1];
	s5 =	srdreg.scid  }
0x3: {  	s3 =	rddreg [dreg:$0x2];
	s5 =	sand.u32 $0x1, s5  }
0x4: {  	s4 =	rddreg [dreg:$0x3];
	s25 =	stileid.u32;
	s7 =	sshll.u32 s5, $0x4  }
0x5: {  	s0 =	rddreg [dreg:$0x4];
	s6 =	simm.s32 $0x0;
	s8 =	sor.u32 s25, s7  }
0x6: {  	[smem:$0x7FF] =	sst s6;
	s9 =	sshll.u32 s8, $0xC  }
0x7: {  	_ =	strace $0x80000047;
	s5 =	ssub.s32 $0x2, s5;
	s28 =	sadd.s32 s1, s9  }
0x8: {  	s7 =	sadd.s32 $0x400, s0;
	s29 =	sadd.s32 s2, s9;
	[dreg:$0x6] =	wrdreg s28  }
0x9: {  	s26 =	sshrl.u32 s5, $0x1;
	s30 =	sadd.s32 s3, s9;
	[dreg:$0x7] =	wrdreg s29  }
0xa: {  	s0 =	ssub.s32 s5, s26;
	s31 =	sadd.s32 s4, s9;
	[dreg:$0x8] =	wrdreg s30  }
0xb: {  	s0 =	smax.u32 s0, $0x1;
	[dreg:$0x9] =	wrdreg s31  }
0xc: {  	s18 =	simm.s32 $0x0;
	s8 =	sshll.u32 s8, $0x2;
	[dreg:$0xa] =	wrdreg s0  }
.LBB2_1:
0xd: {  	_ =	strace $0x80000048;
	s0 =	simm.s32 $0x0  }
0xe: {  	s6 =	simm.s32 $0x4000;
	s26 =	simm.s32 $0x8000;
	s31 =	simm.s32 $0xC000  }
0xf: {  	s16 =	simm.s32 $0x0;
	s30 =	simm.s32 $0x0;
	s20 =	simm.s32 $0x0  }
0x10: {  	s21 =	simm.s32 $0x0;
	s22 =	simm.s32 $0x0;
	s5 =	rddreg [dreg:$0x6]  }
0x11: {  	[tilespmem:s0], [sflag:$0x1] =	stream.linear.gather [hbm4b:s5+s0], $0x2000, $0x200038;
	[tilespmem:$0x10800] =	vst v63  }
0x12: {  	s23 =	simm.s32 $0x1;
	s12 =	simm.s32 $0x1;
	s24 =	rddreg [dreg:$0x7]  }
0x13: {  	[tilespmem:s6], [sflag:$0x3] =	stream.linear.gather [hbm4b:s24+s0], $0x2000, $0x200038;
	[tilespmem:$0x10800] =	vst v63  }
0x14: {  	s9 =	simm.s32 $0x1;
	s14 =	simm.s32 $0x1;
	s25 =	rddreg [dreg:$0x8]  }
0x15: {  	[tilespmem:s26], [sflag:$0x5] =	stream.linear.gather [hbm4b:s25+s0], $0x2000, $0x200038;
	[tilespmem:$0x10800] =	vst v63  }
0x16: {  	s28 =	simm.s32 $0x0;
	s29 =	rddreg [dreg:$0x9];
	s24 =	simm.s32 $0x0  }
0x17: {  	[tilespmem:s31], [sflag:$0x7] =	stream.linear.gather [hbm4b:s29+s0], $0x2000, $0x200038;
	[tilespmem:$0x10800] =	vst v63  }
0x18: {  	s25 =	simm.s32 $0x0;
	s26 =	simm.s32 $0x0;
	_ =	strace $0x90000048  }
.LBB2_2:
0x19: {  	s19 =	smov.u32 s16;
	s16 =	sadd.s32 $0x1, s16  }
0x1a: {  	s0 =	simm.s32 $0x1;
	p0 =	seq.s32 s16, $0x8  }
0x1b: {  	s0 =	simm.s32 @!p0 $0x0  }
0x1c: {  	s29 =	sadd.s32 s0, s30  }
0x1d: {  	p1 =	seq.s32 s29, $0x4  }
0x1e: {  	s16 =	simm.s32 @p0 $0x0;
	s29 =	simm.s32 @p1 $0x0  }
0x1f: {  	p0 =	sne.s32 s19, s16;
	p2 =	sne.s32 s30, s29  }
0x20: {  	p1 =	seq.s32 s28, $0x1F;
	p0 =	por p0, p2  }
0x21: {  	p3 =	por !p0, p1  }
0x22: {  	s15 =	smov.u32 s14;
	s0 =	sadd.s32 @!p3 s8, s29  }
0x23: {  	_ =	strace @!p3 $0x80000049;
	s5 =	sand.u32 @!p3 $0x1, s14;
	s10 =	smul.u32 @!p3 $0x61A800, s16  }
0x24: {  	s14 =	simm.s32 @!p3 $0x800;
	p4 =	seq.s32 @!p3 s0, $0x30D;
	s0 =	sshll.u32 @!p3 s0, $0xD  }
0x25: {  	s17 =	simm.s32 @!p3 $0x0;
	s0 =	sadd.s32 @!p3 s10, s0;
	p4 =	por @!p1 !p4, !p0  }
0x26: {  	s11 =	sadd.s32 @!p3 $0x1, s5;
	s10 =	sshrl.u32 @!p3 s0, $0x3;
	p4 =	por !p4, p1  }
0x27: {  	s13 =	sshll.u32 @!p3 s5, $0xD;
	s0 =	sadd.s32 @!p3 s1, s10;
	s14 =	simm.s32 @!p4 $0x2000  }
0x28: {  	[tilespmem:s13], [sflag:s11] =	stream.linear.gather @!p3 [hbm4b:s0+s17], s14, $0x200038;
	[tilespmem:$0x10800] =	vst v63  }
0x29: {  	s5 =	smov.u32 s9;
	s0 =	sand.u32 @!p3 $0x1, s9  }
0x2a: {  	s13 =	sadd.s32 @!p3 s2, s10;
	_ =	strace @!p3 $0x90000049;
	s9 =	sshll.u32 @!p3 s0, $0xD  }
0x2b: {  	s11 =	sadd.s32 @!p3 $0x3, s0;
	_ =	strace @!p3 $0x8000004A;
	s9 =	sor.u32 @!p3 $0x4000, s9  }
0x2c: {  	[tilespmem:s9], [sflag:s11] =	stream.linear.gather @!p3 [hbm4b:s13+s17], s14, $0x200038;
	[tilespmem:$0x10800] =	vst v63  }
0x2d: {  	s31 =	sadd.s32 s8, s30;
	s0 =	smov.u32 s12;
	s9 =	sand.u32 @!p3 $0x1, s12  }
0x2e: {  	s12 =	sadd.s32 @!p3 s3, s10;
	_ =	strace @!p3 $0x9000004A;
	s11 =	sshll.u32 @!p3 s9, $0xD  }
0x2f: {  	s9 =	sadd.s32 @!p3 $0x5, s9;
	_ =	strace @!p3 $0x8000004B;
	s11 =	sor.u32 @!p3 $0x8000, s11  }
0x30: {  	[tilespmem:s11], [sflag:s9] =	stream.linear.gather @!p3 [hbm4b:s12+s17], s14, $0x200038;
	[tilespmem:$0x10800] =	vst v63  }
0x31: {  	p4 =	seq.s32 s31, $0x30D;
	s9 =	sand.u32 @!p3 $0x1, s23  }
0x32: {  	s10 =	sadd.s32 @!p3 s4, s10;
	_ =	strace @!p3 $0x9000004B;
	s11 =	sshll.u32 @!p3 s9, $0xD  }
0x33: {  	s9 =	sadd.s32 @!p3 $0x7, s9;
	_ =	strace @!p3 $0x8000004C;
	s11 =	sor.u32 @!p3 $0xC000, s11  }
0x34: {  	[tilespmem:s11], [sflag:s9] =	stream.linear.gather @!p3 [hbm4b:s10+s17], s14, $0x200038;
	[tilespmem:$0x10800] =	vst v63  }
0x35: {  	s12 =	sand.u32 $0x1, s26;
	s10 =	simm.s32 $0x800;
	_ =	strace @!p3 $0x9000004C  }
0x36: {  	s9 =	sadd.s32 $0x1, s12;
	s10 =	simm.s32 @!p4 $0x2000;
	_ =	strace $0x8000004D  }
0x37: {  	s11 =	simm.s32 $0xFFFFF800;
	_ =	swait.ge [sflag:s9], s10  }
0x38: {  	s11 =	simm.s32 @!p4 $0xFFFFE000;
	[sflag:s9] =	ssyncset.done $0x0  }
0x39: {  	[sflag:s9] =	ssyncadd.s32 s11  }
0x3a: {  	s13 =	sand.u32 $0x1, s25;
	_ =	strace $0x9000004D  }
0x3b: {  	s9 =	sadd.s32 $0x3, s13;
	_ =	strace $0x8000004E  }
0x3c: {  	_ =	swait.ge [sflag:s9], s10  }
0x3d: {  	[sflag:s9] =	ssyncset.done $0x0  }
0x3e: {  	[sflag:s9] =	ssyncadd.s32 s11  }
0x3f: {  	s14 =	sand.u32 $0x1, s24;
	_ =	strace $0x9000004E  }
0x40: {  	s9 =	sadd.s32 $0x5, s14;
	_ =	strace $0x8000004F  }
0x41: {  	_ =	swait.ge [sflag:s9], s10  }
0x42: {  	s6 =	sshll.u32 s25, $0xD;
	s17 =	sand.u32 $0x1, s22;
	[sflag:s9] =	ssyncset.done $0x0  }
0x43: {  	s13 =	sand.u32 $0x2000, s6;
	s6 =	sshll.u32 s22, $0xD;
	[sflag:s9] =	ssyncadd.s32 s11  }
0x44: {  	s6 =	sand.u32 $0x2000, s6;
	s14 =	sshll.u32 s26, $0xD;
	_ =	strace $0x9000004F  }
0x45: {  	s12 =	sand.u32 $0x2000, s14;
	s9 =	sadd.s32 $0x7, s17;
	_ =	strace $0x80000050  }
0x46: {  	v1 =	vmov s12;
	s17 =	sshll.u32 s24, $0xD;
	_ =	swait.ge [sflag:s9], s10;
	s10 =	sor.u32 $0x4000, s13  }
0x47: {  	s12 =	sor.u32 $0xC000, s6;
	s13 =	sand.u32 $0x2000, s17;
	v0 =	vmov s10;
	[sflag:s9] =	ssyncset.done $0x0  }
0x48: {  	v3 =	vmov s12;
	s17 =	sor.u32 $0x8000, s13;
	s13 =	simm.s32 $0x0;
	[sflag:s9] =	ssyncadd.s32 s11  }
0x49: {  	v2 =	vmov s17;
	s14 =	sand.u32 $0x70, s13;
	s17 =	sand.u32 $0x1C00, s13;
	_ =	strace $0x90000050  }
0x4a: {  	s9 =	sor.u32 s14, s17;
	_ =	strace $0x80000051  }
0x4b: {  	v5 =	vld.idx.msk [tilespmem:v1+s9+$0x0 ss:$0x1], $0xffff  }
0x4c: {  	v4 =	vld.idx.msk [tilespmem:v0+s9+$0x0 ss:$0x1], $0xffff  }
0x4d: {  	v7 =	vld.idx.msk [tilespmem:v3+s9+$0x0 ss:$0x1], $0xffff  }
0x4e: {  	s10 =	sor.u32 $0x80, s9;
	v6 =	vld.idx.msk [tilespmem:v2+s9+$0x0 ss:$0x1], $0xffff  }
0x4f: {  	v8 =	vld.idx.msk [tilespmem:v1+s10+$0x0 ss:$0x1], $0xffff  }
0x50: {  	v9 =	vld.idx.msk [tilespmem:v0+s10+$0x0 ss:$0x1], $0xffff  }
0x51: {  	v10 =	vld.idx.msk [tilespmem:v2+s10+$0x0 ss:$0x1], $0xffff;
	v4 =	vmul.f32 v4, v5  }
0x52: {  	s6 =	sor.u32 $0x100, s9;
	v5 =	vld.idx.msk [tilespmem:v3+s10+$0x0 ss:$0x1], $0xffff  }
0x53: {  	v11 =	vld.idx.msk [tilespmem:v1+s6+$0x0 ss:$0x1], $0xffff;
	v6 =	vmul.f32 v7, v6;
	v4 =	vadd.f32 $0.0e+00, v4  }
0x54: {  	v7 =	vld.idx.msk [tilespmem:v0+s6+$0x0 ss:$0x1], $0xffff  }
0x55: {  	v50 =	vld.idx.msk [tilespmem:v3+s6+$0x0 ss:$0x1], $0xffff;
	v4 =	vadd.f32 v6, v4;
	v6 =	vmul.f32 v9, v8  }
0x56: {  	s11 =	sor.u32 $0x180, s9;
	v12 =	vld.idx.msk [tilespmem:v2+s6+$0x0 ss:$0x1], $0xffff  }
0x57: {  	v51 =	vld.idx.msk [tilespmem:v1+s11+$0x0 ss:$0x1], $0xffff;
	v5 =	vmul.f32 v5, v10;
	v4 =	vadd.f32 v6, v4  }
0x58: {  	v6 =	vld.idx.msk [tilespmem:v0+s11+$0x0 ss:$0x1], $0xffff  }
0x59: {  	v52 =	vld.idx.msk [tilespmem:v2+s11+$0x0 ss:$0x1], $0xffff;
	v4 =	vadd.f32 v5, v4;
	v5 =	vmul.f32 v7, v11  }
0x5a: {  	s12 =	sor.u32 $0x200, s9;
	v7 =	vld.idx.msk [tilespmem:v3+s11+$0x0 ss:$0x1], $0xffff  }
0x5b: {  	v53 =	vld.idx.msk [tilespmem:v1+s12+$0x0 ss:$0x1], $0xffff;
	v4 =	vadd.f32 v5, v4;
	v5 =	vmul.f32 v50, v12  }
0x5c: {  	v54 =	vld.idx.msk [tilespmem:v0+s12+$0x0 ss:$0x1], $0xffff  }
0x5d: {  	v55 =	vld.idx.msk [tilespmem:v2+s12+$0x0 ss:$0x1], $0xffff;
	v4 =	vadd.f32 v5, v4;
	v5 =	vmul.f32 v6, v51  }
0x5e: {  	s13 =	sor.u32 $0x280, s9;
	v6 =	vld.idx.msk [tilespmem:v3+s12+$0x0 ss:$0x1], $0xffff  }
0x5f: {  	v56 =	vld.idx.msk [tilespmem:v1+s13+$0x0 ss:$0x1], $0xffff;
	v4 =	vadd.f32 v5, v4;
	v5 =	vmul.f32 v7, v52  }
0x60: {  	v7 =	vld.idx.msk [tilespmem:v0+s13+$0x0 ss:$0x1], $0xffff  }
0x61: {  	v58 =	vld.idx.msk [tilespmem:v3+s13+$0x0 ss:$0x1], $0xffff;
	v4 =	vadd.f32 v5, v4;
	v5 =	vmul.f32 v54, v53  }
0x62: {  	s14 =	sor.u32 $0x300, s9;
	v57 =	vld.idx.msk [tilespmem:v2+s13+$0x0 ss:$0x1], $0xffff  }
0x63: {  	v59 =	vld.idx.msk [tilespmem:v1+s14+$0x0 ss:$0x1], $0xffff;
	v4 =	vadd.f32 v5, v4;
	v5 =	vmul.f32 v6, v55  }
0x64: {  	v6 =	vld.idx.msk [tilespmem:v0+s14+$0x0 ss:$0x1], $0xffff  }
0x65: {  	v60 =	vld.idx.msk [tilespmem:v2+s14+$0x0 ss:$0x1], $0xffff;
	v4 =	vadd.f32 v5, v4;
	v5 =	vmul.f32 v7, v56  }
0x66: {  	s9 =	sor.u32 $0x380, s9;
	v7 =	vld.idx.msk [tilespmem:v3+s14+$0x0 ss:$0x1], $0xffff  }
0x67: {  	v61 =	vld.idx.msk [tilespmem:v1+s9+$0x0 ss:$0x1], $0xffff;
	v4 =	vadd.f32 v5, v4;
	v5 =	vmul.f32 v58, v57  }
0x68: {  	v62 =	vld.idx.msk [tilespmem:v0+s9+$0x0 ss:$0x1], $0xffff  }
0x69: {  	v63 =	vld.idx.msk [tilespmem:v2+s9+$0x0 ss:$0x1], $0xffff;
	v4 =	vadd.f32 v5, v4;
	v5 =	vmul.f32 v6, v59  }
0x6a: {  	v6 =	vld.idx.msk [tilespmem:v3+s9+$0x0 ss:$0x1], $0xffff  }
0x6b: {  	s10 =	sand.u32 $0x1, s21;
	v4 =	vadd.f32 v5, v4;
	v5 =	vmul.f32 v7, v60  }
0x6c: {  	s17 =	sshll.u32 s10, $0xA  }
0x6d: {  	p4 =	seq.s32 s19, $0x0;
	s11 =	sor.u32 $0x10000, s17;
	v4 =	vadd.f32 v5, v4;
	v5 =	vmul.f32 v62, v61  }
0x6e: {  	s19 =	simm.s32 @!p3 $0x1;
	v7 =	vld @!p4 [tilespmem:s11+$0x0]  }
0x6f: {  	s19 =	simm.s32 @p3 $0x0;
	s12 =	sadd.s32 @!p3 $0x1, s0;
	v4 =	vadd.f32 v5, v4;
	v5 =	vmul.f32 v6, v63  }
0x70: {  	s19 =	simm.s32 @p1 $0x0;
	s12 =	smov.u32 @p3 s0;
	s13 =	simm.s32 $0x1  }
0x71: {  	s12 =	smov.u32 @p1 s0;
	s13 =	simm.s32 @!p4 $0x0;
	s14 =	sadd.s32 @!p3 $0x1, s15;
	v4 =	vadd.f32 v5, v4  }
0x72: {  	s0 =	ssub.s32 s30, s13;
	s14 =	smov.u32 @p3 s15;
	s9 =	sadd.s32 @!p3 $0x1, s5  }
0x73: {  	s13 =	simm.s32 $0x10;
	s14 =	smov.u32 @p1 s15;
	s9 =	smov.u32 @p3 s5;
	v5 =	vadd.f32 @!p4 v7, v4  }
0x74: {  	s15 =	smov.u32 s11;
	s9 =	smov.u32 @p1 s5;
	s5 =	simm.s32 $0x80  }
.LBB2_3:
0x75: {  	s17 =	sand.u32 $0x70, s13;
	s6 =	sand.u32 $0x1C00, s5;
	v4 =	vpsel p4, v4, v5  }
0x76: {  	s5 =	sadd.s32 $0x80, s5;
	s17 =	sor.u32 s17, s6;
	[tilespmem:s15+$0x0] =	vst v4  }
0x77: {  	p3 =	sne.s32 s5, $0x2000;
	v4 =	vld.idx.msk [tilespmem:v0+s17+$0x0 ss:$0x1], $0xffff  }
0x78: {  	v5 =	vld.idx.msk [tilespmem:v1+s17+$0x0 ss:$0x1], $0xffff  }
0x79: {  	v6 =	vld.idx.msk [tilespmem:v2+s17+$0x0 ss:$0x1], $0xffff  }
0x7a: {  	s6 =	sor.u32 $0x80, s17;
	v7 =	vld.idx.msk [tilespmem:v3+s17+$0x0 ss:$0x1], $0xffff  }
0x7b: {  	v8 =	vld.idx.msk [tilespmem:v1+s6+$0x0 ss:$0x1], $0xffff  }
0x7c: {  	v9 =	vld.idx.msk [tilespmem:v0+s6+$0x0 ss:$0x1], $0xffff  }
0x7d: {  	v10 =	vld.idx.msk [tilespmem:v2+s6+$0x0 ss:$0x1], $0xffff  }
0x7e: {  	v4 =	vmul.f32 v4, v5;
	v5 =	vld.idx.msk [tilespmem:v3+s6+$0x0 ss:$0x1], $0xffff;
	s6 =	sor.u32 $0x100, s17  }
0x7f: {  	v11 =	vld.idx.msk [tilespmem:v1+s6+$0x0 ss:$0x1], $0xffff  }
0x80: {  	v4 =	vadd.f32 $0.0e+00, v4;
	v6 =	vmul.f32 v7, v6;
	v7 =	vld.idx.msk [tilespmem:v0+s6+$0x0 ss:$0x1], $0xffff  }
0x81: {  	v12 =	vld.idx.msk [tilespmem:v2+s6+$0x0 ss:$0x1], $0xffff  }
0x82: {  	v4 =	vadd.f32 v6, v4;
	v6 =	vmul.f32 v9, v8;
	v8 =	vld.idx.msk [tilespmem:v3+s6+$0x0 ss:$0x1], $0xffff;
	s6 =	sor.u32 $0x180, s17  }
0x83: {  	v9 =	vld.idx.msk [tilespmem:v1+s6+$0x0 ss:$0x1], $0xffff  }
0x84: {  	v4 =	vadd.f32 v6, v4;
	v5 =	vmul.f32 v5, v10;
	v6 =	vld.idx.msk [tilespmem:v0+s6+$0x0 ss:$0x1], $0xffff  }
0x85: {  	v10 =	vld.idx.msk [tilespmem:v2+s6+$0x0 ss:$0x1], $0xffff  }
0x86: {  	v4 =	vadd.f32 v5, v4;
	v5 =	vmul.f32 v7, v11;
	v7 =	vld.idx.msk [tilespmem:v3+s6+$0x0 ss:$0x1], $0xffff;
	s6 =	sor.u32 $0x200, s17  }
0x87: {  	v11 =	vld.idx.msk [tilespmem:v1+s6+$0x0 ss:$0x1], $0xffff  }
0x88: {  	v4 =	vadd.f32 v5, v4;
	v5 =	vmul.f32 v8, v12;
	v8 =	vld.idx.msk [tilespmem:v0+s6+$0x0 ss:$0x1], $0xffff  }
0x89: {  	v12 =	vld.idx.msk [tilespmem:v2+s6+$0x0 ss:$0x1], $0xffff  }
0x8a: {  	v4 =	vadd.f32 v5, v4;
	v5 =	vmul.f32 v6, v9;
	v6 =	vld.idx.msk [tilespmem:v3+s6+$0x0 ss:$0x1], $0xffff;
	s6 =	sor.u32 $0x280, s17  }
0x8b: {  	v9 =	vld.idx.msk [tilespmem:v1+s6+$0x0 ss:$0x1], $0xffff  }
0x8c: {  	v4 =	vadd.f32 v5, v4;
	v5 =	vmul.f32 v7, v10;
	v7 =	vld.idx.msk [tilespmem:v0+s6+$0x0 ss:$0x1], $0xffff  }
0x8d: {  	v10 =	vld.idx.msk [tilespmem:v2+s6+$0x0 ss:$0x1], $0xffff  }
0x8e: {  	v4 =	vadd.f32 v5, v4;
	v5 =	vmul.f32 v8, v11;
	v8 =	vld.idx.msk [tilespmem:v3+s6+$0x0 ss:$0x1], $0xffff;
	s6 =	sor.u32 $0x300, s17  }
0x8f: {  	v11 =	vld.idx.msk [tilespmem:v1+s6+$0x0 ss:$0x1], $0xffff  }
0x90: {  	v4 =	vadd.f32 v5, v4;
	v5 =	vmul.f32 v6, v12;
	v6 =	vld.idx.msk [tilespmem:v0+s6+$0x0 ss:$0x1], $0xffff  }
0x91: {  	v12 =	vld.idx.msk [tilespmem:v2+s6+$0x0 ss:$0x1], $0xffff  }
0x92: {  	v4 =	vadd.f32 v5, v4;
	v5 =	vmul.f32 v7, v9;
	v7 =	vld.idx.msk [tilespmem:v3+s6+$0x0 ss:$0x1], $0xffff;
	s6 =	sor.u32 $0x380, s17  }
0x93: {  	v9 =	vld.idx.msk [tilespmem:v1+s6+$0x0 ss:$0x1], $0xffff  }
0x94: {  	v4 =	vadd.f32 v5, v4;
	v5 =	vmul.f32 v8, v10;
	v8 =	vld.idx.msk [tilespmem:v0+s6+$0x0 ss:$0x1], $0xffff  }
0x95: {  	v10 =	vld.idx.msk [tilespmem:v2+s6+$0x0 ss:$0x1], $0xffff  }
0x96: {  	v4 =	vadd.f32 v5, v4;
	v5 =	vmul.f32 v6, v11;
	v6 =	vld.idx.msk [tilespmem:v3+s6+$0x0 ss:$0x1], $0xffff;
	_ =	sdelay $0x1  }
0x97: {  	v4 =	vadd.f32 v5, v4;
	v5 =	vmul.f32 v7, v12;
	_ =	sdelay $0x1  }
0x98: {  	s15 =	sadd.s32 $0x10, s15;
	v4 =	vadd.f32 v5, v4;
	v5 =	vmul.f32 v8, v9  }
0x99: {  	v7 =	vld @!p4 [tilespmem:s15+$0x0]  }
0x9a: {  	v4 =	vadd.f32 v5, v4;
	v5 =	vmul.f32 v6, v10  }
.Ltmp0:
0x9b: {  	(pc) =	sbr.rel @p3 .LBB2_3-.Ltmp0, $3  }
0x9c: {  	v4 =	vadd.f32 v5, v4;
	_ =	sdelay $0x1  }
0x9d: {  	v5 =	vadd.f32 @!p4 v7, v4  }
0x9e: {  	s13 =	sadd.s32 $0x10, s13  }
0x9f: {  	p2 =	por p1, p2;
	p3 =	seq.s32 s0, $0xFFFFFFFF  }
0xa0: {  	v0 =	vpsel p4, v4, v5;
	p5 =	sne.s32 s30, $0x3;
	p6 =	sne.s32 s28, $0x0;
	p0 =	por p1, p0  }
0xa1: {  	[tilespmem:s15+$0x0] =	vst v0;
	s0 =	sshll.u32 @p2 s31, $0x7;
	s5 =	sadd.s32 @p2 $0x9, s10;
	s6 =	simm.s32 @p2 $0x0  }
0xa2: {  	p5 =	por @!p3 p4, p4;
	_ =	strace $0x90000051;
	s0 =	sand.u32 @p2 $0x1FFFFF80, s0  }
0xa3: {  	p3 =	por !p6, !p5;
	_ =	strace @p2 $0x80000052;
	s0 =	sadd.s32 @p2 s7, s0  }
0xa4: {  	[hbm4b:s0+s6] =	stream.linear.scatter @p2 [tilespmem:s11], [sflag:s5], $0x400, $0x200038;
	[tilespmem:$0x10800] =	vst v63  }
0xa5: {  	s28 =	sadd.s32 $0x1, s28;
	p3 =	por !p3, !p3;
	s5 =	simm.s32 $0x1  }
0xa6: {  	s0 =	sand.u32 @p3 $0x1, s20;
	_ =	strace @p2 $0x90000052;
	s5 =	simm.s32 @!p2 $0x0  }
0xa7: {  	s0 =	sadd.s32 @p3 $0x9, s0;
	s21 =	sadd.s32 s5, s21;
	s5 =	simm.s32 $0x1  }
0xa8: {  	_ =	strace @p3 $0x80000053;
	s5 =	simm.s32 @!p0 $0x0;
	p0 =	sne.s32 s28, $0x20  }
.Ltmp1:
0xa9: {  	_ =	swait.ge @p3 [sflag:s0], $0x400;
	(pc) =	sbr.rel @p0 .LBB2_2-.Ltmp1, $4  }
0xaa: {  	s23 =	sadd.s32 s23, s19;
	s30 =	smov.u32 s29;
	[sflag:s0] =	ssyncset.done @p3 $0x0  }
0xab: {  	s26 =	sadd.s32 s5, s26;
	[sflag:s0] =	ssyncadd.s32 @p3 $0xFFFFFC00;
	s0 =	simm.s32 $0x1  }
0xac: {  	s25 =	sadd.s32 s5, s25;
	s24 =	sadd.s32 s5, s24;
	s0 =	simm.s32 @!p3 $0x0  }
0xad: {  	s22 =	sadd.s32 s5, s22;
	_ =	strace @p3 $0x90000053;
	s20 =	sadd.s32 s0, s20  }
0xae: {  	_ =	strace $0x80000054;
	s0 =	simm.s32 $0xA  }
0xaf: {  	_ =	swait.ge [sflag:s0], $0x400  }
0xb0: {  	s18 =	sadd.s32 $0x1, s18;
	s31 =	rddreg [dreg:$0xa]  }
0xb1: {  	p0 =	sne.s32 s18, s31  }
.Ltmp2:
0xb2: {  	_ = 	snop;
	(pc) =	sbr.rel @p0 .LBB2_1-.Ltmp2, $4  }
0xb3: {  	_ = 	snop  }
0xb4: {  	[sflag:s0] =	ssyncset.done $0x0  }
0xb5: {  	[sflag:s0] =	ssyncadd.s32 $0xFFFFFC00  }
0xb6: {  	_ =	strace $0x90000054  }
0xb7: {  	_ =	sfence.sel $0x180000  }
0xb8: {  	[bflag:$0x0] =	sbarrier.arrive $0xFFFF  }
0xb9: {  	_ =	strace $0x90000047  }
0xba: {  	s0 =	stileid.u32;
	[bflag:$0x2] =	sbarrier.arrive $0xFFFF  }
0xbb: {  	p0 =	sne.s32 s0, $0x0;
	s0 =	rddreg [dreg:$0x5]  }
0xbc: {  	s0 =	sadd.s32 @!p0 $0x100000, s0  }
0xbd: {  	[sflag:s0] =	ssyncadd.tile.s32 @!p0 $0x1;
	_ =	shalt  }
.Lfunc_end2:
_tile_overlayer_lowered:
.L_overlay_start_2:
0xbe: {  	(tag) =	ssettag $0x2  }
0xbf: {  	s0 =	rddreg [dreg:$0x0];
	s2 =	stileid.u32  }
0xc0: {  	s1 =	rddreg [dreg:$0x1];
	p0 =	sne.s32 s2, $0x0  }
0xc1: {  	s3 =	rddreg [dreg:$0x2];
	[bflag:$0x3] =	sbarrier.arrive $0xFFFF;
	s2 =	simm.s32 @!p0 $0x1C01  }
0xc2: {  	[timem:s3], [sflag:s2] =	dma.local @!p0 [hbm:s0], s1  }
0xc3: {  	s0 =	simm.s32 @!p0 $0x1  }
0xc4: {  	_ =	swait.ge @!p0 [sflag:s0], s1  }
0xc5: {  	s1 =	ssub.s32 @!p0 $0x0, s1;
	[sflag:s0] =	ssyncset.done @!p0 $0x0  }
0xc6: {  	[sflag:s0] =	ssyncadd.s32 @!p0 s1  }
0xc7: {  	[bflag:$0x3] =	sbarrier.arrive $0xFFFF  }
0xc8: {  	_ =	shalt  }

</sc_bundles>
